<compile_context>
chip_gen: v7x
topology: tpu7x:2x2x1
jax: 0.10.2.dev20260603
libtpu: 0.0.44.dev20260713+nightly
codegen_flags: <defaults>
</compile_context>

<pallas_src>
import functools

import jax
import jax.numpy as jnp
from jax import lax
from jax.experimental import pallas as pl
from jax.experimental.pallas import tpu as pltpu
from jax.experimental.pallas import tpu_sc as plsc

N_NODES = 10000
N_EDGES = 320000
NC, NS, L = 2, 16, 16
NW = NC * NS
NPAD = 10240
NBLK = N_EDGES // 128
BPT = NBLK // NW
REM = NBLK - BPT * NW
EMAX = (BPT + 1) * 128


def _edge_pass():
    mesh = plsc.VectorSubcoreMesh(core_axis_name="c", subcore_axis_name="s")

    @functools.partial(
        pl.kernel,
        mesh=mesh,
        compiler_params=pltpu.CompilerParams(needs_layout_passes=False),
        out_type=jax.ShapeDtypeStruct((2, NW, NPAD), jnp.float32),
        scratch_types=[
            pltpu.VMEM((N_NODES,), jnp.float32),
            pltpu.VMEM((N_NODES,), jnp.float32),
            pltpu.VMEM((N_NODES,), jnp.float32),
            pltpu.VMEM((2, EMAX), jnp.int32),
            pltpu.VMEM((NPAD,), jnp.float32),
            pltpu.VMEM((NPAD,), jnp.float32),
            pltpu.VMEM((EMAX,), jnp.float32),
            pltpu.SemaphoreType.DMA,
        ],
    )
    def edge_pass(px_hbm, py_hbm, pz_hbm, ei_hbm, out_hbm,
                  px_v, py_v, pz_v, rc_v, s_v, d_v, w_v, sem):
        wid = lax.axis_index("s") * NC + lax.axis_index("c")
        extra = jnp.where(wid < REM, 1, 0)
        base = (BPT * wid + jnp.minimum(wid, REM)) * 128
        cp_px = pltpu.async_copy(px_hbm, px_v, sem)
        cp_py = pltpu.async_copy(py_hbm, py_v, sem)
        cp_pz = pltpu.async_copy(pz_hbm, pz_v, sem)

        @pl.when(wid < REM)
        def _():
            pltpu.sync_copy(ei_hbm.at[:, pl.ds(base, (BPT + 1) * 128)], rc_v)

        @pl.when(wid >= REM)
        def _():
            pltpu.sync_copy(ei_hbm.at[:, pl.ds(base, BPT * 128)],
                            rc_v.at[:, pl.ds(0, BPT * 128)])

        zf = jnp.zeros((L,), jnp.float32)

        @plsc.parallel_loop(0, NPAD // L, 1, unroll=8)
        def _(i):
            s_v[pl.ds(i * L, L)] = zf
            d_v[pl.ds(i * L, L)] = zf

        cp_px.wait()
        cp_py.wait()
        cp_pz.wait()
        ones = jnp.ones((L,), jnp.float32)
        zero16 = jnp.zeros((L,), jnp.float32)

        @plsc.parallel_loop(0, (BPT + extra) * (128 // L), 1, unroll=8)
        def _(i):
            r = rc_v[0, pl.ds(i * L, L)]
            c = rc_v[1, pl.ds(i * L, L)]
            m = r != c
            dx = plsc.load_gather(px_v, [r]) - plsc.load_gather(px_v, [c])
            dy = plsc.load_gather(py_v, [r]) - plsc.load_gather(py_v, [c])
            dz = plsc.load_gather(pz_v, [r]) - plsc.load_gather(pz_v, [c])
            dsq = jnp.maximum(dx * dx + dy * dy + dz * dz, 1e-12)
            yb = jnp.int32(0x5F3759DF) - (plsc.bitcast(dsq, jnp.int32) >> 1)
            y = plsc.bitcast(yb, jnp.float32)
            hx = 0.5 * dsq
            y = y * (1.5 - hx * y * y)
            y = y * (1.5 - hx * y * y)
            w_v[pl.ds(i * L, L)] = jnp.where(m, y, zero16)

        def acc_body(i, carry):
            r = rc_v[0, pl.ds(i * L, L)]
            w = w_v[pl.ds(i * L, L)]
            m = w > 0.0
            plsc.addupdate_scatter(s_v, [r], w, mask=m)
            plsc.addupdate_scatter(d_v, [r], ones, mask=m)
            return carry

        lax.fori_loop(0, BPT * (128 // L), acc_body, 0, unroll=8)

        @pl.when(wid < REM)
        def _():
            lax.fori_loop(BPT * (128 // L), (BPT + 1) * (128 // L),
                          acc_body, 0, unroll=8)

        pltpu.sync_copy(s_v, out_hbm.at[0, wid])
        pltpu.sync_copy(d_v, out_hbm.at[1, wid])

    return edge_pass


_BN = 2560


def _tc_body(x_ref, w_ref, p_ref, o_ref):
    acc = jnp.dot(x_ref[...], w_ref[...], preferred_element_type=jnp.float32)
    s = jnp.sum(p_ref[0], axis=0)
    deg = jnp.sum(p_ref[1], axis=0)
    scale = (1.0 + s) / (deg + 1.0 + 1e-16)
    o_ref[...] = acc * scale[:, None]


@jax.jit
def kernel(x, pos, edge_index, weight, attention):
    del attention
    partials = _edge_pass()(pos[:, 0], pos[:, 1], pos[:, 2], edge_index)

    return pl.pallas_call(
        _tc_body,
        grid=(NPAD // _BN,),
        in_specs=[
            pl.BlockSpec((_BN, 128), lambda i: (i, 0)),
            pl.BlockSpec((128, 128), lambda i: (0, 0)),
            pl.BlockSpec((2, NW, _BN), lambda i: (0, 0, i)),
        ],
        out_specs=pl.BlockSpec((_BN, 128), lambda i: (i, 0)),
        out_shape=jax.ShapeDtypeStruct((N_NODES, 128), jnp.float32),
    )(x, weight[0], partials)

# --- scband reference (transcript-rebuilt; emitter-appended) ---
"""Pipeline reference for scband-graph-attention2-70050916598254 (READ-ONLY COPY).

The authoritative reference and input builder live on the scoring server;
editing this copy changes nothing except your own understanding.
"""

import jax, jax.numpy as jnp
import numpy as np

N = 10000
E = 320000
D_IN = 128
D_OUT = 128
HEADS = 1


def _xavier(key, shape):
    fan_in = shape[1] * (shape[2] if len(shape) > 2 else 1)
    fan_out = shape[0] * (shape[2] if len(shape) > 2 else 1)
    bound = float(np.sqrt(6.0 / (fan_in + fan_out)))
    return jax.random.uniform(key, shape, minval=-bound, maxval=bound, dtype=jnp.float32)


def setup_inputs(seed: int = 0):
    key = jax.random.key(seed)
    k1, k2, k3, k4, k5 = jax.random.split(key, 5)
    x = jax.random.normal(k1, (N, D_IN), dtype=jnp.float32)
    pos = jax.random.normal(k2, (N, 3), dtype=jnp.float32)
    edge_index = jax.random.randint(k3, (2, E), 0, N, dtype=jnp.int32)
    weight = _xavier(k4, (HEADS, D_IN, D_OUT))
    attention = _xavier(k5, (HEADS, 2 * D_OUT, 1))
    return {"x": x, "pos": pos, "edge_index": edge_index, "weight": weight, "attention": attention}


def _segment_softmax(alpha, seg, num_segments):
    amax = jax.ops.segment_max(alpha, seg, num_segments=num_segments)
    amax = jnp.where(jnp.isfinite(amax), amax, 0.0)
    e = jnp.exp(alpha - amax[seg])
    s = jax.ops.segment_sum(e, seg, num_segments=num_segments)
    return e / (s[seg] + 1e-16)


def reference(x, pos, edge_index, weight, attention):
    H = weight.shape[0]
    h = weight.shape[2]
    row0, col0 = edge_index[0], edge_index[1]
    # remove self loops: redirect them to dummy segment N (fixed-shape equivalent)
    mask = row0 != col0
    dummy = jnp.asarray(N, dtype=row0.dtype)
    row = jnp.where(mask, row0, dummy)
    col = jnp.where(mask, col0, dummy)
    # sort edges by (row, col); dummy edges get key N*N so they stably sort last
    sort_key = jnp.where(mask, row0 * N + col0, N * N)
    order = jnp.argsort(sort_key)
    row = row[order]
    col = col[order]
    # add self loops
    loop = jnp.arange(N, dtype=row.dtype)
    row_sl = jnp.concatenate([row, loop])
    col_sl = jnp.concatenate([col, loop])
    # edge distances from positions (self-loop dist filled with 1.0)
    col_g = jnp.clip(col, 0, N - 1)
    row_g = jnp.clip(row, 0, N - 1)
    edge_dist = jnp.linalg.norm(pos[col_g] - pos[row_g], axis=-1)
    edge_dist = jnp.concatenate([edge_dist, jnp.ones((N,), x.dtype)])
    edge_dist = jnp.maximum(edge_dist, 1e-6)
    # linear transform per head
    out = jnp.einsum('nd,hdo->hno', x, weight)  # [H, N, h]
    out_e = out[:, jnp.clip(row_sl, 0, N - 1)]  # [H, E', h] gather
    cat = jnp.concatenate([out_e, out_e], axis=-1)  # [H, E', 2h]
    alpha = jnp.einsum('heo,hoi->he', cat, attention)  # [H, E']
    alpha = jax.vmap(lambda a: _segment_softmax(a, row_sl, N + 1))(alpha)
    msg = out_e * alpha[..., None] / edge_dist[None, :, None]
    agg = jax.vmap(lambda m: jax.ops.segment_sum(m, row_sl, N + 1))(msg)  # [H, N+1, h]
    agg = agg[:, :N]
    return jnp.transpose(agg, (1, 0, 2)).reshape(N, H * h)

if __name__ == "__main__":
    import jax
    _d = setup_inputs()
    print(jax.jit(kernel)(*tuple(_d.values())))

</pallas_src>

<mosaic_0001>
#map = affine_map<(d0, d1) -> (0)>
#map1 = affine_map<(d0, d1) -> (0, 0)>
#map2 = affine_map<(d0, d1) -> (0, 0, 0)>
module attributes {stable_mosaic.version = 14 : i64} {
  func.func @edge_pass(%arg0: i32, %arg1: i32, %arg2: memref<10000xf32, #tpu.memory_space<hbm>>, %arg3: memref<10000xf32, #tpu.memory_space<hbm>>, %arg4: memref<10000xf32, #tpu.memory_space<hbm>>, %arg5: memref<2x320000xi32, #tpu.memory_space<hbm>>, %arg6: memref<2x32x10240xf32, #tpu.memory_space<hbm>>, %arg7: memref<10000xf32, #tpu.memory_space<vmem>>, %arg8: memref<10000xf32, #tpu.memory_space<vmem>>, %arg9: memref<10000xf32, #tpu.memory_space<vmem>>, %arg10: memref<2x10112xi32, #tpu.memory_space<vmem>>, %arg11: memref<10240xf32, #tpu.memory_space<vmem>>, %arg12: memref<10240xf32, #tpu.memory_space<vmem>>, %arg13: memref<10112xf32, #tpu.memory_space<vmem>>, %arg14: memref<!tpu.dma_semaphore, #tpu.memory_space<semaphore_mem>>) attributes {dimension_semantics = [#tpu.dimension_semantics<core_parallel>, #tpu.dimension_semantics<subcore_parallel>], iteration_bounds = array<i64: 2, 16>, scalar_prefetch = 0 : i64, scratch_operands = 8 : i64, tpu.core_type = #tpu.core_type<sc_vector_subcore>, window_params = [{transform_indices = #map}, {transform_indices = #map}, {transform_indices = #map}, {transform_indices = #map1}, {transform_indices = #map2}]} {
    %mul3A = arith.constant 2 : i32
    %mul3A_0 = arith.muli %arg1, %mul3A : i32
    %add3A = arith.addi %mul3A_0, %arg0 : i32
    %lt3A = arith.constant 4 : i32
    %lt3A_1 = arith.cmpi slt, %add3A, %lt3A : i32
    %jit3A = arith.constant 1 : i32
    %jit3A_2 = arith.constant 0 : i32
    %select_n3A = arith.select %lt3A_1, %jit3A, %jit3A_2 : i32
    %mul3A_3 = arith.constant 78 : i32
    %mul3A_4 = arith.muli %mul3A_3, %add3A : i32
    %min3A = arith.constant 4 : i32
    %min3A_5 = arith.minsi %add3A, %min3A : i32
    %add3A_6 = arith.addi %mul3A_4, %min3A_5 : i32
    %mul3A_7 = arith.constant 128 : i32
    %mul3A_8 = arith.muli %add3A_6, %mul3A_7 : i32
    tpu.enqueue_dma source(%arg2 : memref<10000xf32, #tpu.memory_space<hbm>>) target(%arg7 : memref<10000xf32, #tpu.memory_space<vmem>>) target_semaphore(%arg14 : memref<!tpu.dma_semaphore, #tpu.memory_space<semaphore_mem>>)
    tpu.enqueue_dma source(%arg3 : memref<10000xf32, #tpu.memory_space<hbm>>) target(%arg8 : memref<10000xf32, #tpu.memory_space<vmem>>) target_semaphore(%arg14 : memref<!tpu.dma_semaphore, #tpu.memory_space<semaphore_mem>>)
    tpu.enqueue_dma source(%arg4 : memref<10000xf32, #tpu.memory_space<hbm>>) target(%arg9 : memref<10000xf32, #tpu.memory_space<vmem>>) target_semaphore(%arg14 : memref<!tpu.dma_semaphore, #tpu.memory_space<semaphore_mem>>)
    %lt3A_9 = arith.constant 4 : i32
    %lt3A_10 = arith.cmpi slt, %add3A, %lt3A_9 : i32
    %convert_element_type3A = arith.extui %lt3A_10 : i1 to i32
    %cond3A = arith.constant 0 : i32
    %cond3A_11 = arith.cmpi ne, %convert_element_type3A, %cond3A : i32
    scf.if %cond3A_11 {
      "tpu.region"() ({
        %run_scoped3A_40 = tpu.sem_alloc : memref<!tpu.dma_semaphore, #tpu.memory_space<semaphore_mem>>
        %dma_start3A = arith.constant 0 : i32
        %dma_start3A_41 = tpu.memref_slice %arg5[%dma_start3A, %mul3A_8] : memref<2x320000xi32, #tpu.memory_space<hbm>> -> memref<2x10112xi32, #tpu.memory_space<hbm>>
        %dma_start3A_42 = arith.constant 0 : i32
        %dma_start3A_43 = tpu.memref_slice %arg5[%dma_start3A_42, %mul3A_8] : memref<2x320000xi32, #tpu.memory_space<hbm>> -> memref<2x10112xi32, #tpu.memory_space<hbm>>
        tpu.enqueue_dma source(%dma_start3A_43 : memref<2x10112xi32, #tpu.memory_space<hbm>>) target(%arg10 : memref<2x10112xi32, #tpu.memory_space<vmem>>) target_semaphore(%run_scoped3A_40 : memref<!tpu.dma_semaphore, #tpu.memory_space<semaphore_mem>>)
        %dma_wait3A = arith.constant 0 : i32
        %dma_wait3A_44 = tpu.memref_slice %arg5[%dma_wait3A, %mul3A_8] : memref<2x320000xi32, #tpu.memory_space<hbm>> -> memref<2x10112xi32, #tpu.memory_space<hbm>>
        %dma_wait3A_45 = arith.constant 0 : i32
        %dma_wait3A_46 = tpu.memref_slice %arg5[%dma_wait3A_45, %mul3A_8] : memref<2x320000xi32, #tpu.memory_space<hbm>> -> memref<2x10112xi32, #tpu.memory_space<hbm>>
        tpu.wait_dma2 semaphore(%run_scoped3A_40 : memref<!tpu.dma_semaphore, #tpu.memory_space<semaphore_mem>>) src(%dma_wait3A_46 : memref<2x10112xi32, #tpu.memory_space<hbm>>) dst(%arg10 : memref<2x10112xi32, #tpu.memory_space<vmem>>)
        tpu.yield
      }) : () -> ()
    } else {
    }
    %ge3A = arith.constant 4 : i32
    %ge3A_12 = arith.cmpi sge, %add3A, %ge3A : i32
    %convert_element_type3A_13 = arith.extui %ge3A_12 : i1 to i32
    %cond3A_14 = arith.constant 0 : i32
    %cond3A_15 = arith.cmpi ne, %convert_element_type3A_13, %cond3A_14 : i32
    scf.if %cond3A_15 {
      "tpu.region"() ({
        %run_scoped3A_40 = tpu.sem_alloc : memref<!tpu.dma_semaphore, #tpu.memory_space<semaphore_mem>>
        %dma_start3A = arith.constant 0 : i32
        %dma_start3A_41 = arith.constant 0 : i32
        %dma_start3A_42 = tpu.memref_slice %arg10[%dma_start3A, %dma_start3A_41] : memref<2x10112xi32, #tpu.memory_space<vmem>> -> memref<2x9984xi32, #tpu.memory_space<vmem>>
        %dma_start3A_43 = arith.constant 0 : i32
        %dma_start3A_44 = tpu.memref_slice %arg5[%dma_start3A_43, %mul3A_8] : memref<2x320000xi32, #tpu.memory_space<hbm>> -> memref<2x9984xi32, #tpu.memory_space<hbm>>
        %dma_start3A_45 = arith.constant 0 : i32
        %dma_start3A_46 = arith.constant 0 : i32
        %dma_start3A_47 = tpu.memref_slice %arg10[%dma_start3A_45, %dma_start3A_46] : memref<2x10112xi32, #tpu.memory_space<vmem>> -> memref<2x9984xi32, #tpu.memory_space<vmem>>
        %dma_start3A_48 = arith.constant 0 : i32
        %dma_start3A_49 = tpu.memref_slice %arg5[%dma_start3A_48, %mul3A_8] : memref<2x320000xi32, #tpu.memory_space<hbm>> -> memref<2x9984xi32, #tpu.memory_space<hbm>>
        tpu.enqueue_dma source(%dma_start3A_49 : memref<2x9984xi32, #tpu.memory_space<hbm>>) target(%dma_start3A_47 : memref<2x9984xi32, #tpu.memory_space<vmem>>) target_semaphore(%run_scoped3A_40 : memref<!tpu.dma_semaphore, #tpu.memory_space<semaphore_mem>>)
        %dma_wait3A = arith.constant 0 : i32
        %dma_wait3A_50 = arith.constant 0 : i32
        %dma_wait3A_51 = tpu.memref_slice %arg10[%dma_wait3A, %dma_wait3A_50] : memref<2x10112xi32, #tpu.memory_space<vmem>> -> memref<2x9984xi32, #tpu.memory_space<vmem>>
        %dma_wait3A_52 = arith.constant 0 : i32
        %dma_wait3A_53 = tpu.memref_slice %arg5[%dma_wait3A_52, %mul3A_8] : memref<2x320000xi32, #tpu.memory_space<hbm>> -> memref<2x9984xi32, #tpu.memory_space<hbm>>
        %dma_wait3A_54 = arith.constant 0 : i32
        %dma_wait3A_55 = arith.constant 0 : i32
        %dma_wait3A_56 = tpu.memref_slice %arg10[%dma_wait3A_54, %dma_wait3A_55] : memref<2x10112xi32, #tpu.memory_space<vmem>> -> memref<2x9984xi32, #tpu.memory_space<vmem>>
        %dma_wait3A_57 = arith.constant 0 : i32
        %dma_wait3A_58 = tpu.memref_slice %arg5[%dma_wait3A_57, %mul3A_8] : memref<2x320000xi32, #tpu.memory_space<hbm>> -> memref<2x9984xi32, #tpu.memory_space<hbm>>
        tpu.wait_dma2 semaphore(%run_scoped3A_40 : memref<!tpu.dma_semaphore, #tpu.memory_space<semaphore_mem>>) src(%dma_wait3A_58 : memref<2x9984xi32, #tpu.memory_space<hbm>>) dst(%dma_wait3A_56 : memref<2x9984xi32, #tpu.memory_space<vmem>>)
        tpu.yield
      }) : () -> ()
    } else {
    }
    %broadcast_in_dim3A = arith.constant 0.000000e+00 : f32
    %broadcast_in_dim3A_16 = vector.broadcast %broadcast_in_dim3A : f32 to vector<16xf32>
    %parallel_loop3A = arith.constant 0 : i32
    %parallel_loop3A_17 = arith.constant 640 : i32
    %parallel_loop3A_18 = arith.constant 1 : i32
    scf.for %parallel_loop3A_40 = %parallel_loop3A to %parallel_loop3A_17 step %parallel_loop3A_18  : i32 {
      %parallel_loop3A_41 = arith.constant 16 : i32
      %parallel_loop3A_42 = arith.muli %parallel_loop3A_40, %parallel_loop3A_41 : i32
      %parallel_loop3A_43 = arith.index_cast %parallel_loop3A_42 : i32 to index
      %parallel_loop3A_44 = tpu.vector_load %arg11[%parallel_loop3A_43] {strides = array<i32>} : memref<10240xf32, #tpu.memory_space<vmem>>, vector<16xf32>,
      tpu.vector_store %arg11[%parallel_loop3A_43], %broadcast_in_dim3A_16 {strides = array<i32>} : memref<10240xf32, #tpu.memory_space<vmem>>, vector<16xf32>,
      %parallel_loop3A_45 = arith.constant 16 : i32
      %parallel_loop3A_46 = arith.muli %parallel_loop3A_40, %parallel_loop3A_45 : i32
      %parallel_loop3A_47 = arith.index_cast %parallel_loop3A_46 : i32 to index
      %parallel_loop3A_48 = tpu.vector_load %arg12[%parallel_loop3A_47] {strides = array<i32>} : memref<10240xf32, #tpu.memory_space<vmem>>, vector<16xf32>,
      tpu.vector_store %arg12[%parallel_loop3A_47], %broadcast_in_dim3A_16 {strides = array<i32>} : memref<10240xf32, #tpu.memory_space<vmem>>, vector<16xf32>,
    } {sc.loop_unroll_factor = 8 : i64, sc.parallel_access}
    tpu.wait_dma2 semaphore(%arg14 : memref<!tpu.dma_semaphore, #tpu.memory_space<semaphore_mem>>) src(%arg2 : memref<10000xf32, #tpu.memory_space<hbm>>) dst(%arg7 : memref<10000xf32, #tpu.memory_space<vmem>>)
    tpu.wait_dma2 semaphore(%arg14 : memref<!tpu.dma_semaphore, #tpu.memory_space<semaphore_mem>>) src(%arg3 : memref<10000xf32, #tpu.memory_space<hbm>>) dst(%arg8 : memref<10000xf32, #tpu.memory_space<vmem>>)
    tpu.wait_dma2 semaphore(%arg14 : memref<!tpu.dma_semaphore, #tpu.memory_space<semaphore_mem>>) src(%arg4 : memref<10000xf32, #tpu.memory_space<hbm>>) dst(%arg9 : memref<10000xf32, #tpu.memory_space<vmem>>)
    %broadcast_in_dim3A_19 = arith.constant 1.000000e+00 : f32
    %broadcast_in_dim3A_20 = vector.broadcast %broadcast_in_dim3A_19 : f32 to vector<16xf32>
    %broadcast_in_dim3A_21 = arith.constant 0.000000e+00 : f32
    %broadcast_in_dim3A_22 = vector.broadcast %broadcast_in_dim3A_21 : f32 to vector<16xf32>
    %add3A_23 = arith.constant 78 : i32
    %add3A_24 = arith.addi %add3A_23, %select_n3A : i32
    %mul3A_25 = arith.constant 8 : i32
    %mul3A_26 = arith.muli %add3A_24, %mul3A_25 : i32
    %parallel_loop3A_27 = arith.constant 0 : i32
    %parallel_loop3A_28 = arith.constant 1 : i32
    scf.for %parallel_loop3A_40 = %parallel_loop3A_27 to %mul3A_26 step %parallel_loop3A_28  : i32 {
      %parallel_loop3A_41 = arith.constant 16 : i32
      %parallel_loop3A_42 = arith.muli %parallel_loop3A_40, %parallel_loop3A_41 : i32
      %parallel_loop3A_43 = arith.constant 0 : i32
      %parallel_loop3A_44 = arith.index_cast %parallel_loop3A_43 : i32 to index
      %parallel_loop3A_45 = arith.index_cast %parallel_loop3A_42 : i32 to index
      %parallel_loop3A_46 = tpu.vector_load %arg10[%parallel_loop3A_44, %parallel_loop3A_45] {strides = array<i32>} : memref<2x10112xi32, #tpu.memory_space<vmem>>, vector<16xi32>,
      %parallel_loop3A_47 = arith.constant 16 : i32
      %parallel_loop3A_48 = arith.muli %parallel_loop3A_40, %parallel_loop3A_47 : i32
      %parallel_loop3A_49 = arith.constant 1 : i32
      %parallel_loop3A_50 = arith.index_cast %parallel_loop3A_49 : i32 to index
      %parallel_loop3A_51 = arith.index_cast %parallel_loop3A_48 : i32 to index
      %parallel_loop3A_52 = tpu.vector_load %arg10[%parallel_loop3A_50, %parallel_loop3A_51] {strides = array<i32>} : memref<2x10112xi32, #tpu.memory_space<vmem>>, vector<16xi32>,
      %parallel_loop3A_53 = arith.cmpi ne, %parallel_loop3A_46, %parallel_loop3A_52 : vector<16xi32>
      %parallel_loop3A_54 = tpu.vector_load_idx %arg7[%parallel_loop3A_46] : memref<10000xf32, #tpu.memory_space<vmem>>[vector<16xi32>], vector<16xf32>,
      %parallel_loop3A_55 = tpu.vector_load_idx %arg7[%parallel_loop3A_52] : memref<10000xf32, #tpu.memory_space<vmem>>[vector<16xi32>], vector<16xf32>,
      %parallel_loop3A_56 = arith.subf %parallel_loop3A_54, %parallel_loop3A_55 : vector<16xf32>
      %parallel_loop3A_57 = tpu.vector_load_idx %arg8[%parallel_loop3A_46] : memref<10000xf32, #tpu.memory_space<vmem>>[vector<16xi32>], vector<16xf32>,
      %parallel_loop3A_58 = tpu.vector_load_idx %arg8[%parallel_loop3A_52] : memref<10000xf32, #tpu.memory_space<vmem>>[vector<16xi32>], vector<16xf32>,
      %parallel_loop3A_59 = arith.subf %parallel_loop3A_57, %parallel_loop3A_58 : vector<16xf32>
      %parallel_loop3A_60 = tpu.vector_load_idx %arg9[%parallel_loop3A_46] : memref<10000xf32, #tpu.memory_space<vmem>>[vector<16xi32>], vector<16xf32>,
      %parallel_loop3A_61 = tpu.vector_load_idx %arg9[%parallel_loop3A_52] : memref<10000xf32, #tpu.memory_space<vmem>>[vector<16xi32>], vector<16xf32>,
      %parallel_loop3A_62 = arith.subf %parallel_loop3A_60, %parallel_loop3A_61 : vector<16xf32>
      %parallel_loop3A_63 = arith.mulf %parallel_loop3A_56, %parallel_loop3A_56 : vector<16xf32>
      %parallel_loop3A_64 = arith.mulf %parallel_loop3A_59, %parallel_loop3A_59 : vector<16xf32>
      %parallel_loop3A_65 = arith.addf %parallel_loop3A_63, %parallel_loop3A_64 : vector<16xf32>
      %parallel_loop3A_66 = arith.mulf %parallel_loop3A_62, %parallel_loop3A_62 : vector<16xf32>
      %parallel_loop3A_67 = arith.addf %parallel_loop3A_65, %parallel_loop3A_66 : vector<16xf32>
      %parallel_loop3A_68 = arith.constant 9.99999996E-13 : f32
      %parallel_loop3A_69 = vector.broadcast %parallel_loop3A_68 : f32 to vector<16xf32>
      %parallel_loop3A_70 = arith.maximumf %parallel_loop3A_67, %parallel_loop3A_69 : vector<16xf32>
      %parallel_loop3A_71 = vector.bitcast %parallel_loop3A_70 : vector<16xf32> to vector<16xi32>
      %parallel_loop3A_72 = arith.constant 1 : i32
      %parallel_loop3A_73 = vector.broadcast %parallel_loop3A_72 : i32 to vector<16xi32>
      %parallel_loop3A_74 = arith.shrsi %parallel_loop3A_71, %parallel_loop3A_73 : vector<16xi32>
      %parallel_loop3A_75 = arith.constant 1597463007 : i32
      %parallel_loop3A_76 = vector.broadcast %parallel_loop3A_75 : i32 to vector<16xi32>
      %parallel_loop3A_77 = arith.subi %parallel_loop3A_76, %parallel_loop3A_74 : vector<16xi32>
      %parallel_loop3A_78 = vector.bitcast %parallel_loop3A_77 : vector<16xi32> to vector<16xf32>
      %parallel_loop3A_79 = arith.constant 5.000000e-01 : f32
      %parallel_loop3A_80 = vector.broadcast %parallel_loop3A_79 : f32 to vector<16xf32>
      %parallel_loop3A_81 = arith.mulf %parallel_loop3A_80, %parallel_loop3A_70 : vector<16xf32>
      %parallel_loop3A_82 = arith.mulf %parallel_loop3A_81, %parallel_loop3A_78 : vector<16xf32>
      %parallel_loop3A_83 = arith.mulf %parallel_loop3A_82, %parallel_loop3A_78 : vector<16xf32>
      %parallel_loop3A_84 = arith.constant 1.500000e+00 : f32
      %parallel_loop3A_85 = vector.broadcast %parallel_loop3A_84 : f32 to vector<16xf32>
      %parallel_loop3A_86 = arith.subf %parallel_loop3A_85, %parallel_loop3A_83 : vector<16xf32>
      %parallel_loop3A_87 = arith.mulf %parallel_loop3A_78, %parallel_loop3A_86 : vector<16xf32>
      %parallel_loop3A_88 = arith.mulf %parallel_loop3A_81, %parallel_loop3A_87 : vector<16xf32>
      %parallel_loop3A_89 = arith.mulf %parallel_loop3A_88, %parallel_loop3A_87 : vector<16xf32>
      %parallel_loop3A_90 = arith.constant 1.500000e+00 : f32
      %parallel_loop3A_91 = vector.broadcast %parallel_loop3A_90 : f32 to vector<16xf32>
      %parallel_loop3A_92 = arith.subf %parallel_loop3A_91, %parallel_loop3A_89 : vector<16xf32>
      %parallel_loop3A_93 = arith.mulf %parallel_loop3A_87, %parallel_loop3A_92 : vector<16xf32>
      %parallel_loop3A_94 = arith.select %parallel_loop3A_53, %parallel_loop3A_93, %broadcast_in_dim3A_22 : vector<16xi1>, vector<16xf32>
      %parallel_loop3A_95 = arith.constant 16 : i32
      %parallel_loop3A_96 = arith.muli %parallel_loop3A_40, %parallel_loop3A_95 : i32
      %parallel_loop3A_97 = arith.index_cast %parallel_loop3A_96 : i32 to index
      %parallel_loop3A_98 = tpu.vector_load %arg13[%parallel_loop3A_97] {strides = array<i32>} : memref<10112xf32, #tpu.memory_space<vmem>>, vector<16xf32>,
      tpu.vector_store %arg13[%parallel_loop3A_97], %parallel_loop3A_94 {strides = array<i32>} : memref<10112xf32, #tpu.memory_space<vmem>>, vector<16xf32>,
    } {sc.loop_unroll_factor = 8 : i64, sc.parallel_access}
    %scan3A = arith.constant 0 : i32
    %scan3A_29 = arith.constant 0 : i32
    %scan3A_30 = arith.constant 624 : i32
    %scan3A_31 = arith.addi %scan3A_29, %scan3A_30 : i32
    %scan3A_32 = arith.constant 8 : i32
    scf.for %scan3A_40 = %scan3A_29 to %scan3A_31 step %scan3A_32  : i32 {
      %mul3A_41 = arith.constant 16 : i32
      %mul3A_42 = arith.muli %scan3A_40, %mul3A_41 : i32
      %get3A = arith.constant 0 : i32
      %get3A_43 = arith.index_cast %get3A : i32 to index
      %get3A_44 = arith.index_cast %mul3A_42 : i32 to index
      %get3A_45 = tpu.vector_load %arg10[%get3A_43, %get3A_44] {strides = array<i32>} : memref<2x10112xi32, #tpu.memory_space<vmem>>, vector<16xi32>,
      %mul3A_46 = arith.constant 16 : i32
      %mul3A_47 = arith.muli %scan3A_40, %mul3A_46 : i32
      %get3A_48 = arith.index_cast %mul3A_47 : i32 to index
      %get3A_49 = tpu.vector_load %arg13[%get3A_48] {strides = array<i32>} : memref<10112xf32, #tpu.memory_space<vmem>>, vector<16xf32>,
      %gt3A = arith.constant 0.000000e+00 : f32
      %gt3A_50 = vector.broadcast %gt3A : f32 to vector<16xf32>
      %gt3A_51 = arith.cmpf ogt, %get3A_49, %gt3A_50 : vector<16xf32>
      tpu.vector_store_idx %arg11[%get3A_45], %get3A_49 masked %gt3A_51 {add = true} : memref<10240xf32, #tpu.memory_space<vmem>>[vector<16xi32>], vector<16xf32>, vector<16xi1>
      tpu.vector_store_idx %arg12[%get3A_45], %broadcast_in_dim3A_20 masked %gt3A_51 {add = true} : memref<10240xf32, #tpu.memory_space<vmem>>[vector<16xi32>], vector<16xf32>, vector<16xi1>
      %scan3A_52 = arith.constant 1 : i32
      %scan3A_53 = arith.addi %scan3A_40, %scan3A_52 : i32
      %mul3A_54 = arith.constant 16 : i32
      %mul3A_55 = arith.muli %scan3A_53, %mul3A_54 : i32
      %get3A_56 = arith.constant 0 : i32
      %get3A_57 = arith.index_cast %get3A_56 : i32 to index
      %get3A_58 = arith.index_cast %mul3A_55 : i32 to index
      %get3A_59 = tpu.vector_load %arg10[%get3A_57, %get3A_58] {strides = array<i32>} : memref<2x10112xi32, #tpu.memory_space<vmem>>, vector<16xi32>,
      %mul3A_60 = arith.constant 16 : i32
      %mul3A_61 = arith.muli %scan3A_53, %mul3A_60 : i32
      %get3A_62 = arith.index_cast %mul3A_61 : i32 to index
      %get3A_63 = tpu.vector_load %arg13[%get3A_62] {strides = array<i32>} : memref<10112xf32, #tpu.memory_space<vmem>>, vector<16xf32>,
      %gt3A_64 = arith.constant 0.000000e+00 : f32
      %gt3A_65 = vector.broadcast %gt3A_64 : f32 to vector<16xf32>
      %gt3A_66 = arith.cmpf ogt, %get3A_63, %gt3A_65 : vector<16xf32>
      tpu.vector_store_idx %arg11[%get3A_59], %get3A_63 masked %gt3A_66 {add = true} : memref<10240xf32, #tpu.memory_space<vmem>>[vector<16xi32>], vector<16xf32>, vector<16xi1>
      tpu.vector_store_idx %arg12[%get3A_59], %broadcast_in_dim3A_20 masked %gt3A_66 {add = true} : memref<10240xf32, #tpu.memory_space<vmem>>[vector<16xi32>], vector<16xf32>, vector<16xi1>
      %scan3A_67 = arith.constant 2 : i32
      %scan3A_68 = arith.addi %scan3A_40, %scan3A_67 : i32
      %mul3A_69 = arith.constant 16 : i32
      %mul3A_70 = arith.muli %scan3A_68, %mul3A_69 : i32
      %get3A_71 = arith.constant 0 : i32
      %get3A_72 = arith.index_cast %get3A_71 : i32 to index
      %get3A_73 = arith.index_cast %mul3A_70 : i32 to index
      %get3A_74 = tpu.vector_load %arg10[%get3A_72, %get3A_73] {strides = array<i32>} : memref<2x10112xi32, #tpu.memory_space<vmem>>, vector<16xi32>,
      %mul3A_75 = arith.constant 16 : i32
      %mul3A_76 = arith.muli %scan3A_68, %mul3A_75 : i32
      %get3A_77 = arith.index_cast %mul3A_76 : i32 to index
      %get3A_78 = tpu.vector_load %arg13[%get3A_77] {strides = array<i32>} : memref<10112xf32, #tpu.memory_space<vmem>>, vector<16xf32>,
      %gt3A_79 = arith.constant 0.000000e+00 : f32
      %gt3A_80 = vector.broadcast %gt3A_79 : f32 to vector<16xf32>
      %gt3A_81 = arith.cmpf ogt, %get3A_78, %gt3A_80 : vector<16xf32>
      tpu.vector_store_idx %arg11[%get3A_74], %get3A_78 masked %gt3A_81 {add = true} : memref<10240xf32, #tpu.memory_space<vmem>>[vector<16xi32>], vector<16xf32>, vector<16xi1>
      tpu.vector_store_idx %arg12[%get3A_74], %broadcast_in_dim3A_20 masked %gt3A_81 {add = true} : memref<10240xf32, #tpu.memory_space<vmem>>[vector<16xi32>], vector<16xf32>, vector<16xi1>
      %scan3A_82 = arith.constant 3 : i32
      %scan3A_83 = arith.addi %scan3A_40, %scan3A_82 : i32
      %mul3A_84 = arith.constant 16 : i32
      %mul3A_85 = arith.muli %scan3A_83, %mul3A_84 : i32
      %get3A_86 = arith.constant 0 : i32
      %get3A_87 = arith.index_cast %get3A_86 : i32 to index
      %get3A_88 = arith.index_cast %mul3A_85 : i32 to index
      %get3A_89 = tpu.vector_load %arg10[%get3A_87, %get3A_88] {strides = array<i32>} : memref<2x10112xi32, #tpu.memory_space<vmem>>, vector<16xi32>,
      %mul3A_90 = arith.constant 16 : i32
      %mul3A_91 = arith.muli %scan3A_83, %mul3A_90 : i32
      %get3A_92 = arith.index_cast %mul3A_91 : i32 to index
      %get3A_93 = tpu.vector_load %arg13[%get3A_92] {strides = array<i32>} : memref<10112xf32, #tpu.memory_space<vmem>>, vector<16xf32>,
      %gt3A_94 = arith.constant 0.000000e+00 : f32
      %gt3A_95 = vector.broadcast %gt3A_94 : f32 to vector<16xf32>
      %gt3A_96 = arith.cmpf ogt, %get3A_93, %gt3A_95 : vector<16xf32>
      tpu.vector_store_idx %arg11[%get3A_89], %get3A_93 masked %gt3A_96 {add = true} : memref<10240xf32, #tpu.memory_space<vmem>>[vector<16xi32>], vector<16xf32>, vector<16xi1>
      tpu.vector_store_idx %arg12[%get3A_89], %broadcast_in_dim3A_20 masked %gt3A_96 {add = true} : memref<10240xf32, #tpu.memory_space<vmem>>[vector<16xi32>], vector<16xf32>, vector<16xi1>
      %scan3A_97 = arith.constant 4 : i32
      %scan3A_98 = arith.addi %scan3A_40, %scan3A_97 : i32
      %mul3A_99 = arith.constant 16 : i32
      %mul3A_100 = arith.muli %scan3A_98, %mul3A_99 : i32
      %get3A_101 = arith.constant 0 : i32
      %get3A_102 = arith.index_cast %get3A_101 : i32 to index
      %get3A_103 = arith.index_cast %mul3A_100 : i32 to index
      %get3A_104 = tpu.vector_load %arg10[%get3A_102, %get3A_103] {strides = array<i32>} : memref<2x10112xi32, #tpu.memory_space<vmem>>, vector<16xi32>,
      %mul3A_105 = arith.constant 16 : i32
      %mul3A_106 = arith.muli %scan3A_98, %mul3A_105 : i32
      %get3A_107 = arith.index_cast %mul3A_106 : i32 to index
      %get3A_108 = tpu.vector_load %arg13[%get3A_107] {strides = array<i32>} : memref<10112xf32, #tpu.memory_space<vmem>>, vector<16xf32>,
      %gt3A_109 = arith.constant 0.000000e+00 : f32
      %gt3A_110 = vector.broadcast %gt3A_109 : f32 to vector<16xf32>
      %gt3A_111 = arith.cmpf ogt, %get3A_108, %gt3A_110 : vector<16xf32>
      tpu.vector_store_idx %arg11[%get3A_104], %get3A_108 masked %gt3A_111 {add = true} : memref<10240xf32, #tpu.memory_space<vmem>>[vector<16xi32>], vector<16xf32>, vector<16xi1>
      tpu.vector_store_idx %arg12[%get3A_104], %broadcast_in_dim3A_20 masked %gt3A_111 {add = true} : memref<10240xf32, #tpu.memory_space<vmem>>[vector<16xi32>], vector<16xf32>, vector<16xi1>
      %scan3A_112 = arith.constant 5 : i32
      %scan3A_113 = arith.addi %scan3A_40, %scan3A_112 : i32
      %mul3A_114 = arith.constant 16 : i32
      %mul3A_115 = arith.muli %scan3A_113, %mul3A_114 : i32
      %get3A_116 = arith.constant 0 : i32
      %get3A_117 = arith.index_cast %get3A_116 : i32 to index
      %get3A_118 = arith.index_cast %mul3A_115 : i32 to index
      %get3A_119 = tpu.vector_load %arg10[%get3A_117, %get3A_118] {strides = array<i32>} : memref<2x10112xi32, #tpu.memory_space<vmem>>, vector<16xi32>,
      %mul3A_120 = arith.constant 16 : i32
      %mul3A_121 = arith.muli %scan3A_113, %mul3A_120 : i32
      %get3A_122 = arith.index_cast %mul3A_121 : i32 to index
      %get3A_123 = tpu.vector_load %arg13[%get3A_122] {strides = array<i32>} : memref<10112xf32, #tpu.memory_space<vmem>>, vector<16xf32>,
      %gt3A_124 = arith.constant 0.000000e+00 : f32
      %gt3A_125 = vector.broadcast %gt3A_124 : f32 to vector<16xf32>
      %gt3A_126 = arith.cmpf ogt, %get3A_123, %gt3A_125 : vector<16xf32>
      tpu.vector_store_idx %arg11[%get3A_119], %get3A_123 masked %gt3A_126 {add = true} : memref<10240xf32, #tpu.memory_space<vmem>>[vector<16xi32>], vector<16xf32>, vector<16xi1>
      tpu.vector_store_idx %arg12[%get3A_119], %broadcast_in_dim3A_20 masked %gt3A_126 {add = true} : memref<10240xf32, #tpu.memory_space<vmem>>[vector<16xi32>], vector<16xf32>, vector<16xi1>
      %scan3A_127 = arith.constant 6 : i32
      %scan3A_128 = arith.addi %scan3A_40, %scan3A_127 : i32
      %mul3A_129 = arith.constant 16 : i32
      %mul3A_130 = arith.muli %scan3A_128, %mul3A_129 : i32
      %get3A_131 = arith.constant 0 : i32
      %get3A_132 = arith.index_cast %get3A_131 : i32 to index
      %get3A_133 = arith.index_cast %mul3A_130 : i32 to index
      %get3A_134 = tpu.vector_load %arg10[%get3A_132, %get3A_133] {strides = array<i32>} : memref<2x10112xi32, #tpu.memory_space<vmem>>, vector<16xi32>,
      %mul3A_135 = arith.constant 16 : i32
      %mul3A_136 = arith.muli %scan3A_128, %mul3A_135 : i32
      %get3A_137 = arith.index_cast %mul3A_136 : i32 to index
      %get3A_138 = tpu.vector_load %arg13[%get3A_137] {strides = array<i32>} : memref<10112xf32, #tpu.memory_space<vmem>>, vector<16xf32>,
      %gt3A_139 = arith.constant 0.000000e+00 : f32
      %gt3A_140 = vector.broadcast %gt3A_139 : f32 to vector<16xf32>
      %gt3A_141 = arith.cmpf ogt, %get3A_138, %gt3A_140 : vector<16xf32>
      tpu.vector_store_idx %arg11[%get3A_134], %get3A_138 masked %gt3A_141 {add = true} : memref<10240xf32, #tpu.memory_space<vmem>>[vector<16xi32>], vector<16xf32>, vector<16xi1>
      tpu.vector_store_idx %arg12[%get3A_134], %broadcast_in_dim3A_20 masked %gt3A_141 {add = true} : memref<10240xf32, #tpu.memory_space<vmem>>[vector<16xi32>], vector<16xf32>, vector<16xi1>
      %scan3A_142 = arith.constant 7 : i32
      %scan3A_143 = arith.addi %scan3A_40, %scan3A_142 : i32
      %mul3A_144 = arith.constant 16 : i32
      %mul3A_145 = arith.muli %scan3A_143, %mul3A_144 : i32
      %get3A_146 = arith.constant 0 : i32
      %get3A_147 = arith.index_cast %get3A_146 : i32 to index
      %get3A_148 = arith.index_cast %mul3A_145 : i32 to index
      %get3A_149 = tpu.vector_load %arg10[%get3A_147, %get3A_148] {strides = array<i32>} : memref<2x10112xi32, #tpu.memory_space<vmem>>, vector<16xi32>,
      %mul3A_150 = arith.constant 16 : i32
      %mul3A_151 = arith.muli %scan3A_143, %mul3A_150 : i32
      %get3A_152 = arith.index_cast %mul3A_151 : i32 to index
      %get3A_153 = tpu.vector_load %arg13[%get3A_152] {strides = array<i32>} : memref<10112xf32, #tpu.memory_space<vmem>>, vector<16xf32>,
      %gt3A_154 = arith.constant 0.000000e+00 : f32
      %gt3A_155 = vector.broadcast %gt3A_154 : f32 to vector<16xf32>
      %gt3A_156 = arith.cmpf ogt, %get3A_153, %gt3A_155 : vector<16xf32>
      tpu.vector_store_idx %arg11[%get3A_149], %get3A_153 masked %gt3A_156 {add = true} : memref<10240xf32, #tpu.memory_space<vmem>>[vector<16xi32>], vector<16xf32>, vector<16xi1>
      tpu.vector_store_idx %arg12[%get3A_149], %broadcast_in_dim3A_20 masked %gt3A_156 {add = true} : memref<10240xf32, #tpu.memory_space<vmem>>[vector<16xi32>], vector<16xf32>, vector<16xi1>
    }
    %scan3A_33 = arith.constant 624 : i32
    %lt3A_34 = arith.constant 4 : i32
    %lt3A_35 = arith.cmpi slt, %add3A, %lt3A_34 : i32
    %convert_element_type3A_36 = arith.extui %lt3A_35 : i1 to i32
    %cond3A_37 = arith.constant 0 : i32
    %cond3A_38 = arith.cmpi ne, %convert_element_type3A_36, %cond3A_37 : i32
    scf.if %cond3A_38 {
      %scan3A_40 = arith.constant 0 : i32
      %scan3A_41 = arith.constant 624 : i32
      %mul3A_42 = arith.constant 16 : i32
      %mul3A_43 = arith.muli %scan3A_41, %mul3A_42 : i32
      %get3A = arith.constant 0 : i32
      %get3A_44 = arith.index_cast %get3A : i32 to index
      %get3A_45 = arith.index_cast %mul3A_43 : i32 to index
      %get3A_46 = tpu.vector_load %arg10[%get3A_44, %get3A_45] {strides = array<i32>} : memref<2x10112xi32, #tpu.memory_space<vmem>>, vector<16xi32>,
      %mul3A_47 = arith.constant 16 : i32
      %mul3A_48 = arith.muli %scan3A_41, %mul3A_47 : i32
      %get3A_49 = arith.index_cast %mul3A_48 : i32 to index
      %get3A_50 = tpu.vector_load %arg13[%get3A_49] {strides = array<i32>} : memref<10112xf32, #tpu.memory_space<vmem>>, vector<16xf32>,
      %gt3A = arith.constant 0.000000e+00 : f32
      %gt3A_51 = vector.broadcast %gt3A : f32 to vector<16xf32>
      %gt3A_52 = arith.cmpf ogt, %get3A_50, %gt3A_51 : vector<16xf32>
      tpu.vector_store_idx %arg11[%get3A_46], %get3A_50 masked %gt3A_52 {add = true} : memref<10240xf32, #tpu.memory_space<vmem>>[vector<16xi32>], vector<16xf32>, vector<16xi1>
      tpu.vector_store_idx %arg12[%get3A_46], %broadcast_in_dim3A_20 masked %gt3A_52 {add = true} : memref<10240xf32, #tpu.memory_space<vmem>>[vector<16xi32>], vector<16xf32>, vector<16xi1>
      %scan3A_53 = arith.constant 625 : i32
      %mul3A_54 = arith.constant 16 : i32
      %mul3A_55 = arith.muli %scan3A_53, %mul3A_54 : i32
      %get3A_56 = arith.constant 0 : i32
      %get3A_57 = arith.index_cast %get3A_56 : i32 to index
      %get3A_58 = arith.index_cast %mul3A_55 : i32 to index
      %get3A_59 = tpu.vector_load %arg10[%get3A_57, %get3A_58] {strides = array<i32>} : memref<2x10112xi32, #tpu.memory_space<vmem>>, vector<16xi32>,
      %mul3A_60 = arith.constant 16 : i32
      %mul3A_61 = arith.muli %scan3A_53, %mul3A_60 : i32
      %get3A_62 = arith.index_cast %mul3A_61 : i32 to index
      %get3A_63 = tpu.vector_load %arg13[%get3A_62] {strides = array<i32>} : memref<10112xf32, #tpu.memory_space<vmem>>, vector<16xf32>,
      %gt3A_64 = arith.constant 0.000000e+00 : f32
      %gt3A_65 = vector.broadcast %gt3A_64 : f32 to vector<16xf32>
      %gt3A_66 = arith.cmpf ogt, %get3A_63, %gt3A_65 : vector<16xf32>
      tpu.vector_store_idx %arg11[%get3A_59], %get3A_63 masked %gt3A_66 {add = true} : memref<10240xf32, #tpu.memory_space<vmem>>[vector<16xi32>], vector<16xf32>, vector<16xi1>
      tpu.vector_store_idx %arg12[%get3A_59], %broadcast_in_dim3A_20 masked %gt3A_66 {add = true} : memref<10240xf32, #tpu.memory_space<vmem>>[vector<16xi32>], vector<16xf32>, vector<16xi1>
      %scan3A_67 = arith.constant 626 : i32
      %mul3A_68 = arith.constant 16 : i32
      %mul3A_69 = arith.muli %scan3A_67, %mul3A_68 : i32
      %get3A_70 = arith.constant 0 : i32
      %get3A_71 = arith.index_cast %get3A_70 : i32 to index
      %get3A_72 = arith.index_cast %mul3A_69 : i32 to index
      %get3A_73 = tpu.vector_load %arg10[%get3A_71, %get3A_72] {strides = array<i32>} : memref<2x10112xi32, #tpu.memory_space<vmem>>, vector<16xi32>,
      %mul3A_74 = arith.constant 16 : i32
      %mul3A_75 = arith.muli %scan3A_67, %mul3A_74 : i32
      %get3A_76 = arith.index_cast %mul3A_75 : i32 to index
      %get3A_77 = tpu.vector_load %arg13[%get3A_76] {strides = array<i32>} : memref<10112xf32, #tpu.memory_space<vmem>>, vector<16xf32>,
      %gt3A_78 = arith.constant 0.000000e+00 : f32
      %gt3A_79 = vector.broadcast %gt3A_78 : f32 to vector<16xf32>
      %gt3A_80 = arith.cmpf ogt, %get3A_77, %gt3A_79 : vector<16xf32>
      tpu.vector_store_idx %arg11[%get3A_73], %get3A_77 masked %gt3A_80 {add = true} : memref<10240xf32, #tpu.memory_space<vmem>>[vector<16xi32>], vector<16xf32>, vector<16xi1>
      tpu.vector_store_idx %arg12[%get3A_73], %broadcast_in_dim3A_20 masked %gt3A_80 {add = true} : memref<10240xf32, #tpu.memory_space<vmem>>[vector<16xi32>], vector<16xf32>, vector<16xi1>
      %scan3A_81 = arith.constant 627 : i32
      %mul3A_82 = arith.constant 16 : i32
      %mul3A_83 = arith.muli %scan3A_81, %mul3A_82 : i32
      %get3A_84 = arith.constant 0 : i32
      %get3A_85 = arith.index_cast %get3A_84 : i32 to index
      %get3A_86 = arith.index_cast %mul3A_83 : i32 to index
      %get3A_87 = tpu.vector_load %arg10[%get3A_85, %get3A_86] {strides = array<i32>} : memref<2x10112xi32, #tpu.memory_space<vmem>>, vector<16xi32>,
      %mul3A_88 = arith.constant 16 : i32
      %mul3A_89 = arith.muli %scan3A_81, %mul3A_88 : i32
      %get3A_90 = arith.index_cast %mul3A_89 : i32 to index
      %get3A_91 = tpu.vector_load %arg13[%get3A_90] {strides = array<i32>} : memref<10112xf32, #tpu.memory_space<vmem>>, vector<16xf32>,
      %gt3A_92 = arith.constant 0.000000e+00 : f32
      %gt3A_93 = vector.broadcast %gt3A_92 : f32 to vector<16xf32>
      %gt3A_94 = arith.cmpf ogt, %get3A_91, %gt3A_93 : vector<16xf32>
      tpu.vector_store_idx %arg11[%get3A_87], %get3A_91 masked %gt3A_94 {add = true} : memref<10240xf32, #tpu.memory_space<vmem>>[vector<16xi32>], vector<16xf32>, vector<16xi1>
      tpu.vector_store_idx %arg12[%get3A_87], %broadcast_in_dim3A_20 masked %gt3A_94 {add = true} : memref<10240xf32, #tpu.memory_space<vmem>>[vector<16xi32>], vector<16xf32>, vector<16xi1>
      %scan3A_95 = arith.constant 628 : i32
      %mul3A_96 = arith.constant 16 : i32
      %mul3A_97 = arith.muli %scan3A_95, %mul3A_96 : i32
      %get3A_98 = arith.constant 0 : i32
      %get3A_99 = arith.index_cast %get3A_98 : i32 to index
      %get3A_100 = arith.index_cast %mul3A_97 : i32 to index
      %get3A_101 = tpu.vector_load %arg10[%get3A_99, %get3A_100] {strides = array<i32>} : memref<2x10112xi32, #tpu.memory_space<vmem>>, vector<16xi32>,
      %mul3A_102 = arith.constant 16 : i32
      %mul3A_103 = arith.muli %scan3A_95, %mul3A_102 : i32
      %get3A_104 = arith.index_cast %mul3A_103 : i32 to index
      %get3A_105 = tpu.vector_load %arg13[%get3A_104] {strides = array<i32>} : memref<10112xf32, #tpu.memory_space<vmem>>, vector<16xf32>,
      %gt3A_106 = arith.constant 0.000000e+00 : f32
      %gt3A_107 = vector.broadcast %gt3A_106 : f32 to vector<16xf32>
      %gt3A_108 = arith.cmpf ogt, %get3A_105, %gt3A_107 : vector<16xf32>
      tpu.vector_store_idx %arg11[%get3A_101], %get3A_105 masked %gt3A_108 {add = true} : memref<10240xf32, #tpu.memory_space<vmem>>[vector<16xi32>], vector<16xf32>, vector<16xi1>
      tpu.vector_store_idx %arg12[%get3A_101], %broadcast_in_dim3A_20 masked %gt3A_108 {add = true} : memref<10240xf32, #tpu.memory_space<vmem>>[vector<16xi32>], vector<16xf32>, vector<16xi1>
      %scan3A_109 = arith.constant 629 : i32
      %mul3A_110 = arith.constant 16 : i32
      %mul3A_111 = arith.muli %scan3A_109, %mul3A_110 : i32
      %get3A_112 = arith.constant 0 : i32
      %get3A_113 = arith.index_cast %get3A_112 : i32 to index
      %get3A_114 = arith.index_cast %mul3A_111 : i32 to index
      %get3A_115 = tpu.vector_load %arg10[%get3A_113, %get3A_114] {strides = array<i32>} : memref<2x10112xi32, #tpu.memory_space<vmem>>, vector<16xi32>,
      %mul3A_116 = arith.constant 16 : i32
      %mul3A_117 = arith.muli %scan3A_109, %mul3A_116 : i32
      %get3A_118 = arith.index_cast %mul3A_117 : i32 to index
      %get3A_119 = tpu.vector_load %arg13[%get3A_118] {strides = array<i32>} : memref<10112xf32, #tpu.memory_space<vmem>>, vector<16xf32>,
      %gt3A_120 = arith.constant 0.000000e+00 : f32
      %gt3A_121 = vector.broadcast %gt3A_120 : f32 to vector<16xf32>
      %gt3A_122 = arith.cmpf ogt, %get3A_119, %gt3A_121 : vector<16xf32>
      tpu.vector_store_idx %arg11[%get3A_115], %get3A_119 masked %gt3A_122 {add = true} : memref<10240xf32, #tpu.memory_space<vmem>>[vector<16xi32>], vector<16xf32>, vector<16xi1>
      tpu.vector_store_idx %arg12[%get3A_115], %broadcast_in_dim3A_20 masked %gt3A_122 {add = true} : memref<10240xf32, #tpu.memory_space<vmem>>[vector<16xi32>], vector<16xf32>, vector<16xi1>
      %scan3A_123 = arith.constant 630 : i32
      %mul3A_124 = arith.constant 16 : i32
      %mul3A_125 = arith.muli %scan3A_123, %mul3A_124 : i32
      %get3A_126 = arith.constant 0 : i32
      %get3A_127 = arith.index_cast %get3A_126 : i32 to index
      %get3A_128 = arith.index_cast %mul3A_125 : i32 to index
      %get3A_129 = tpu.vector_load %arg10[%get3A_127, %get3A_128] {strides = array<i32>} : memref<2x10112xi32, #tpu.memory_space<vmem>>, vector<16xi32>,
      %mul3A_130 = arith.constant 16 : i32
      %mul3A_131 = arith.muli %scan3A_123, %mul3A_130 : i32
      %get3A_132 = arith.index_cast %mul3A_131 : i32 to index
      %get3A_133 = tpu.vector_load %arg13[%get3A_132] {strides = array<i32>} : memref<10112xf32, #tpu.memory_space<vmem>>, vector<16xf32>,
      %gt3A_134 = arith.constant 0.000000e+00 : f32
      %gt3A_135 = vector.broadcast %gt3A_134 : f32 to vector<16xf32>
      %gt3A_136 = arith.cmpf ogt, %get3A_133, %gt3A_135 : vector<16xf32>
      tpu.vector_store_idx %arg11[%get3A_129], %get3A_133 masked %gt3A_136 {add = true} : memref<10240xf32, #tpu.memory_space<vmem>>[vector<16xi32>], vector<16xf32>, vector<16xi1>
      tpu.vector_store_idx %arg12[%get3A_129], %broadcast_in_dim3A_20 masked %gt3A_136 {add = true} : memref<10240xf32, #tpu.memory_space<vmem>>[vector<16xi32>], vector<16xf32>, vector<16xi1>
      %scan3A_137 = arith.constant 631 : i32
      %mul3A_138 = arith.constant 16 : i32
      %mul3A_139 = arith.muli %scan3A_137, %mul3A_138 : i32
      %get3A_140 = arith.constant 0 : i32
      %get3A_141 = arith.index_cast %get3A_140 : i32 to index
      %get3A_142 = arith.index_cast %mul3A_139 : i32 to index
      %get3A_143 = tpu.vector_load %arg10[%get3A_141, %get3A_142] {strides = array<i32>} : memref<2x10112xi32, #tpu.memory_space<vmem>>, vector<16xi32>,
      %mul3A_144 = arith.constant 16 : i32
      %mul3A_145 = arith.muli %scan3A_137, %mul3A_144 : i32
      %get3A_146 = arith.index_cast %mul3A_145 : i32 to index
      %get3A_147 = tpu.vector_load %arg13[%get3A_146] {strides = array<i32>} : memref<10112xf32, #tpu.memory_space<vmem>>, vector<16xf32>,
      %gt3A_148 = arith.constant 0.000000e+00 : f32
      %gt3A_149 = vector.broadcast %gt3A_148 : f32 to vector<16xf32>
      %gt3A_150 = arith.cmpf ogt, %get3A_147, %gt3A_149 : vector<16xf32>
      tpu.vector_store_idx %arg11[%get3A_143], %get3A_147 masked %gt3A_150 {add = true} : memref<10240xf32, #tpu.memory_space<vmem>>[vector<16xi32>], vector<16xf32>, vector<16xi1>
      tpu.vector_store_idx %arg12[%get3A_143], %broadcast_in_dim3A_20 masked %gt3A_150 {add = true} : memref<10240xf32, #tpu.memory_space<vmem>>[vector<16xi32>], vector<16xf32>, vector<16xi1>
      %scan3A_151 = arith.constant 8 : i32
    } else {
    }
    %run_scoped3A = arith.constant 0 : i32
    "tpu.region"() ({
      %run_scoped3A_40 = tpu.sem_alloc : memref<!tpu.dma_semaphore, #tpu.memory_space<semaphore_mem>>
      %dma_start3A = arith.constant 0 : i32
      %dma_start3A_41 = tpu.memref_slice %arg6[%run_scoped3A, %add3A, %dma_start3A] : memref<2x32x10240xf32, #tpu.memory_space<hbm>> -> memref<1x1x10240xf32, #tpu.memory_space<hbm>>
      %dma_start3A_42 = tpu.memref_squeeze %dma_start3A_41 : memref<1x1x10240xf32, #tpu.memory_space<hbm>> -> memref<10240xf32, #tpu.memory_space<hbm>>
      %dma_start3A_43 = arith.constant 0 : i32
      %dma_start3A_44 = tpu.memref_slice %arg6[%run_scoped3A, %add3A, %dma_start3A_43] : memref<2x32x10240xf32, #tpu.memory_space<hbm>> -> memref<1x1x10240xf32, #tpu.memory_space<hbm>>
      %dma_start3A_45 = tpu.memref_squeeze %dma_start3A_44 : memref<1x1x10240xf32, #tpu.memory_space<hbm>> -> memref<10240xf32, #tpu.memory_space<hbm>>
      tpu.enqueue_dma source(%arg11 : memref<10240xf32, #tpu.memory_space<vmem>>) target(%dma_start3A_45 : memref<10240xf32, #tpu.memory_space<hbm>>) target_semaphore(%run_scoped3A_40 : memref<!tpu.dma_semaphore, #tpu.memory_space<semaphore_mem>>)
      %dma_wait3A = arith.constant 0 : i32
      %dma_wait3A_46 = tpu.memref_slice %arg6[%run_scoped3A, %add3A, %dma_wait3A] : memref<2x32x10240xf32, #tpu.memory_space<hbm>> -> memref<1x1x10240xf32, #tpu.memory_space<hbm>>
      %dma_wait3A_47 = tpu.memref_squeeze %dma_wait3A_46 : memref<1x1x10240xf32, #tpu.memory_space<hbm>> -> memref<10240xf32, #tpu.memory_space<hbm>>
      %dma_wait3A_48 = arith.constant 0 : i32
      %dma_wait3A_49 = tpu.memref_slice %arg6[%run_scoped3A, %add3A, %dma_wait3A_48] : memref<2x32x10240xf32, #tpu.memory_space<hbm>> -> memref<1x1x10240xf32, #tpu.memory_space<hbm>>
      %dma_wait3A_50 = tpu.memref_squeeze %dma_wait3A_49 : memref<1x1x10240xf32, #tpu.memory_space<hbm>> -> memref<10240xf32, #tpu.memory_space<hbm>>
      tpu.wait_dma2 semaphore(%run_scoped3A_40 : memref<!tpu.dma_semaphore, #tpu.memory_space<semaphore_mem>>) src(%arg11 : memref<10240xf32, #tpu.memory_space<vmem>>) dst(%dma_wait3A_50 : memref<10240xf32, #tpu.memory_space<hbm>>)
      tpu.yield
    }) : () -> ()
    %run_scoped3A_39 = arith.constant 1 : i32
    "tpu.region"() ({
      %run_scoped3A_40 = tpu.sem_alloc : memref<!tpu.dma_semaphore, #tpu.memory_space<semaphore_mem>>
      %dma_start3A = arith.constant 0 : i32
      %dma_start3A_41 = tpu.memref_slice %arg6[%run_scoped3A_39, %add3A, %dma_start3A] : memref<2x32x10240xf32, #tpu.memory_space<hbm>> -> memref<1x1x10240xf32, #tpu.memory_space<hbm>>
      %dma_start3A_42 = tpu.memref_squeeze %dma_start3A_41 : memref<1x1x10240xf32, #tpu.memory_space<hbm>> -> memref<10240xf32, #tpu.memory_space<hbm>>
      %dma_start3A_43 = arith.constant 0 : i32
      %dma_start3A_44 = tpu.memref_slice %arg6[%run_scoped3A_39, %add3A, %dma_start3A_43] : memref<2x32x10240xf32, #tpu.memory_space<hbm>> -> memref<1x1x10240xf32, #tpu.memory_space<hbm>>
      %dma_start3A_45 = tpu.memref_squeeze %dma_start3A_44 : memref<1x1x10240xf32, #tpu.memory_space<hbm>> -> memref<10240xf32, #tpu.memory_space<hbm>>
      tpu.enqueue_dma source(%arg12 : memref<10240xf32, #tpu.memory_space<vmem>>) target(%dma_start3A_45 : memref<10240xf32, #tpu.memory_space<hbm>>) target_semaphore(%run_scoped3A_40 : memref<!tpu.dma_semaphore, #tpu.memory_space<semaphore_mem>>)
      %dma_wait3A = arith.constant 0 : i32
      %dma_wait3A_46 = tpu.memref_slice %arg6[%run_scoped3A_39, %add3A, %dma_wait3A] : memref<2x32x10240xf32, #tpu.memory_space<hbm>> -> memref<1x1x10240xf32, #tpu.memory_space<hbm>>
      %dma_wait3A_47 = tpu.memref_squeeze %dma_wait3A_46 : memref<1x1x10240xf32, #tpu.memory_space<hbm>> -> memref<10240xf32, #tpu.memory_space<hbm>>
      %dma_wait3A_48 = arith.constant 0 : i32
      %dma_wait3A_49 = tpu.memref_slice %arg6[%run_scoped3A_39, %add3A, %dma_wait3A_48] : memref<2x32x10240xf32, #tpu.memory_space<hbm>> -> memref<1x1x10240xf32, #tpu.memory_space<hbm>>
      %dma_wait3A_50 = tpu.memref_squeeze %dma_wait3A_49 : memref<1x1x10240xf32, #tpu.memory_space<hbm>> -> memref<10240xf32, #tpu.memory_space<hbm>>
      tpu.wait_dma2 semaphore(%run_scoped3A_40 : memref<!tpu.dma_semaphore, #tpu.memory_space<semaphore_mem>>) src(%arg12 : memref<10240xf32, #tpu.memory_space<vmem>>) dst(%dma_wait3A_50 : memref<10240xf32, #tpu.memory_space<hbm>>)
      tpu.yield
    }) : () -> ()
    return
  }
}

module attributes {stable_mosaic.version = 14 : i64} {
  func.func @_tc_body(%arg0: i32, %arg1: memref<2560x128xf32, #tpu.memory_space<vmem>>, %arg2: memref<128x128xf32, #tpu.memory_space<vmem>>, %arg3: memref<2x32x2560xf32, #tpu.memory_space<vmem>>, %arg4: memref<2560x128xf32, #tpu.memory_space<vmem>>) attributes {dimension_semantics = [#tpu.dimension_semantics<arbitrary>], iteration_bounds = array<i64: 4>, scalar_prefetch = 0 : i64, scratch_operands = 0 : i64, tpu.core_type = #tpu.core_type<tc>, window_params = [{transform_indices = @transform_0, window_bounds = array<i64: 2560, 128>}, {pipeline_mode = #tpu.pipeline_mode<synchronous>, transform_indices = @transform_1, window_bounds = array<i64: 128, 128>}, {transform_indices = @transform_2, window_bounds = array<i64: 2, 32, 2560>}, {transform_indices = @transform_3, window_bounds = array<i64: 2560, 128>}]} {
    %get3A = arith.constant 0 : index
    %get3A_0 = arith.constant 0 : index
    %get3A_1 = vector.load %arg1[%get3A, %get3A_0] : memref<2560x128xf32, #tpu.memory_space<vmem>>, vector<2560x128xf32>
    %get3A_2 = arith.constant 0 : index
    %get3A_3 = arith.constant 0 : index
    %get3A_4 = vector.load %arg2[%get3A_2, %get3A_3] : memref<128x128xf32, #tpu.memory_space<vmem>>, vector<128x128xf32>
    %dot_general3A = arith.constant dense<0.000000e+00> : vector<2560x128xf32>
    %dot_general3A_5 = tpu.matmul %get3A_1, %get3A_4, %dot_general3A {dimension_numbers = #tpu.dot_dimension_numbers<[1], [0], [0], [1], [0, 0, 1, 1], [], []>, transpose_lhs_hint = false} : vector<2560x128xf32>, vector<128x128xf32>, vector<2560x128xf32> -> vector<2560x128xf32>
    %get3A_6 = arith.constant 0 : index
    %get3A_7 = arith.constant 0 : index
    %get3A_8 = arith.constant 0 : index
    %get3A_9 = vector.load %arg3[%get3A_6, %get3A_7, %get3A_8] : memref<2x32x2560xf32, #tpu.memory_space<vmem>>, vector<1x32x2560xf32>
    %get3A_10 = vector.shape_cast %get3A_9 : vector<1x32x2560xf32> to vector<32x2560xf32>
    %reduce_sum3A = arith.constant dense<0.000000e+00> : vector<2560xf32>
    %reduce_sum3A_11 = vector.multi_reduction <add>, %get3A_10, %reduce_sum3A [0] : vector<32x2560xf32> to vector<2560xf32>
    %get3A_12 = arith.constant 1 : index
    %get3A_13 = arith.constant 0 : index
    %get3A_14 = arith.constant 0 : index
    %get3A_15 = vector.load %arg3[%get3A_12, %get3A_13, %get3A_14] : memref<2x32x2560xf32, #tpu.memory_space<vmem>>, vector<1x32x2560xf32>
    %get3A_16 = vector.shape_cast %get3A_15 : vector<1x32x2560xf32> to vector<32x2560xf32>
    %reduce_sum3A_17 = arith.constant dense<0.000000e+00> : vector<2560xf32>
    %reduce_sum3A_18 = vector.multi_reduction <add>, %get3A_16, %reduce_sum3A_17 [0] : vector<32x2560xf32> to vector<2560xf32>
    %add3A = arith.constant 1.000000e+00 : f32
    %add3A_19 = vector.broadcast %add3A : f32 to vector<2560xf32>
    %add3A_20 = arith.addf %add3A_19, %reduce_sum3A_11 : vector<2560xf32>
    %add3A_21 = arith.constant 1.000000e+00 : f32
    %add3A_22 = vector.broadcast %add3A_21 : f32 to vector<2560xf32>
    %add3A_23 = arith.addf %reduce_sum3A_18, %add3A_22 : vector<2560xf32>
    %add3A_24 = arith.constant 1.000000e-16 : f32
    %add3A_25 = vector.broadcast %add3A_24 : f32 to vector<2560xf32>
    %add3A_26 = arith.addf %add3A_23, %add3A_25 : vector<2560xf32>
    %div3A = arith.divf %add3A_20, %add3A_26 : vector<2560xf32>
    %broadcast_in_dim3A = vector.shape_cast %div3A : vector<2560xf32> to vector<2560x1xf32>
    %mul3A = vector.broadcast %broadcast_in_dim3A : vector<2560x1xf32> to vector<2560x128xf32>
    %mul3A_27 = arith.mulf %dot_general3A_5, %mul3A : vector<2560x128xf32>
    %swap3A = arith.constant 0 : index
    %swap3A_28 = arith.constant 0 : index
    %swap3A_29 = vector.load %arg4[%swap3A, %swap3A_28] : memref<2560x128xf32, #tpu.memory_space<vmem>>, vector<2560x128xf32>
    tpu.vector_store %arg4[%swap3A, %swap3A_28], %mul3A_27 {strides = array<i32>} : memref<2560x128xf32, #tpu.memory_space<vmem>>, vector<2560x128xf32>,
    return
  }
  func.func @transform_0(%arg0: i32) -> (i32, i32) {
    %c0_i32 = arith.constant 0 : i32
    %c0_i32_0 = arith.constant 0 : i32
    return %arg0, %c0_i32 : i32, i32
  }
  func.func @transform_1(%arg0: i32) -> (i32, i32) {
    %c0_i32 = arith.constant 0 : i32
    %c0_i32_0 = arith.constant 0 : i32
    %c0_i32_1 = arith.constant 0 : i32
    return %c0_i32, %c0_i32_0 : i32, i32
  }
  func.func @transform_2(%arg0: i32) -> (i32, i32, i32) {
    %c0_i32 = arith.constant 0 : i32
    %c0_i32_0 = arith.constant 0 : i32
    %c0_i32_1 = arith.constant 0 : i32
    return %c0_i32, %c0_i32_0, %arg0 : i32, i32, i32
  }
  func.func @transform_3(%arg0: i32) -> (i32, i32) {
    %c0_i32 = arith.constant 0 : i32
    %c0_i32_0 = arith.constant 0 : i32
    return %arg0, %c0_i32 : i32, i32
  }
}

</mosaic_0001>

<sc_bundles>
// kernel: kernel.4.cloned.1.call-start
scs
__scs_entry_jumppad:
0x0: {  	(pc) =	sbr.rel $0x88, $3  }
0x1: {  	(tag) =	ssettag $0x0;
	lr =	simm.s32 $0x1  }
0x2: {  	[smem:$0x3F9D] =	sst lr;
	_ =	strace $0xD0000000  }
0x3: {  	_ = 	snop  }
0x4: {  	_ = 	snop  }
0x5: {  	_ = 	snop  }
0x6: {  	_ = 	snop  }
0x7: {  	_ = 	snop  }
__scs_overlays_trampoline_lowered:
0x8: {  	[smem:$0x3FAC] =	sst s0  }
0x9: {  	[smem:$0x3FAD] =	sst s1  }
0xa: {  	[smem:$0x3FAE] =	sst s2  }
0xb: {  	[smem:$0x3FAF] =	sst s3  }
0xc: {  	[smem:$0x3FB0] =	sst s4  }
0xd: {  	[smem:$0x3FB1] =	sst s5  }
0xe: {  	[smem:$0x3FB2] =	sst s6  }
0xf: {  	[smem:$0x3FB3] =	sst s7  }
0x10: {  	[smem:$0x3FB4] =	sst s8  }
0x11: {  	[smem:$0x3FB5] =	sst s9;
	s0 =	simm.s32 @!p0 $0x0  }
0x12: {  	s1 =	sld [smem:$0x3F9B];
	s0 =	simm.s32 @p0 $0x1  }
0x13: {  	[smem:$0x3FB6] =	sst s0;
	s0 =	simm.s32 @!p1 $0x0  }
0x14: {  	s2 =	sld [smem:$0x3F9A];
	s0 =	simm.s32 @p1 $0x1  }
0x15: {  	[smem:$0x3FB7] =	sst s0;
	s0 =	simm.s32 @!p2 $0x0  }
0x16: {  	s3 =	sld [smem:$0x3FDB];
	s0 =	simm.s32 @p2 $0x1  }
0x17: {  	s4 =	simm.s32 $0x1BF5;
	[smem:$0x3FB9] =	sst s0  }
0x18: {  	s0 =	sld [smem:$0x3F9C];
	_ =	swait.ge [sflag:s4], $0x0  }
0x19: {  	s7 =	sld [smem:$0x3F9D]  }
0x1a: {  	s8 =	sadd.s32 $0xFFFFE003, lr  }
0x1b: {  	s9 =	sadd.s32 $0xFFFFFEF7, lr;
	s5 =	simm.s32 $0xFFFFFFFF;
	p2 =	slt.u32 s8, $0xFFFFF086  }
0x1c: {  	p1 =	slt.u32 s9, $0xF7A;
	s5 =	simm.s32 @!p2 $0x0  }
0x1d: {  	s5 =	simm.s32 @p1 $0x1;
	p0 =	seq.s32 s7, s2  }
0x1e: {  	s7 =	smul.u32 @!p0 $0xF7A, s2;
	p2 =	seq.s32 @!p0 s5, $0x0  }
0x1f: {  	s9 =	smul.u32 $0xF7A, s1;
	s8 =	simm.s32 @!p0 $0x1BF5;
	p2 =	por !p2, p0  }
0x20: {  	[sflag:s8] =	ssyncset.s32 @!p0 $0xFFFFF086;
	s6 =	sadd.s32 @!p0 s3, s7;
	s7 =	simm.s32 @!p0 $0x108  }
0x21: {  	s3 =	sadd.s32 s3, s9;
	s6 =	sadd.s32 @!p0 $0x88, s6;
	s7 =	simm.s32 @p2 $0x1082  }
0x22: {  	[simem:s7], [sflag:s8] =	dma.local @!p0 [hbm:s6], $0xF7A  }
0x23: {  	s9 =	sor.u32 $0xD0000000, s2;
	s6 =	simm.s32 $0x108;
	_ =	swait.ge @!p0 [sflag:s8], $0x0  }
0x24: {  	s3 =	sadd.s32 $0x88, s3;
	s6 =	simm.s32 @!p1 $0x1082;
	[sflag:s4] =	ssyncset.s32 $0xFFFFF086  }
0x25: {  	[simem:s6], [sflag:s4] =	dma.local [hbm:s3], $0xF7A  }
0x26: {  	[smem:$0x3F9D] =	sst s1;
	(tag) =	ssettag s2;
	_ =	strace s9  }
0x27: {  	s1 =	sld [smem:$0x3FAD]  }
0x28: {  	s2 =	sld [smem:$0x3FAE]  }
0x29: {  	s4 =	sld [smem:$0x3FB0]  }
0x2a: {  	p0 =	seq.s32 s5, $0x0;
	s5 =	sld [smem:$0x3FB1]  }
0x2b: {  	s6 =	sld [smem:$0x3FB2]  }
0x2c: {  	s7 =	sld [smem:$0x3FB3]  }
0x2d: {  	s3 =	simm.s32 $0x108;
	s8 =	sld [smem:$0x3FB4]  }
0x2e: {  	s3 =	simm.s32 @!p0 $0x1082;
	s9 =	sld [smem:$0x3FB5]  }
0x2f: {  	lr =	sadd.s32 s0, s3;
	s0 =	sld [smem:$0x3FAC]  }
0x30: {  	s3 =	sld [smem:$0x3FAF]  }
0x31: {  	[smem:$0x3FB8] =	sst s10  }
0x32: {  	s10 =	sld [smem:$0x3FB6];
	_ =	sdelay $0x3  }
0x33: {  	p0 =	seq.s32 s10, $0x1;
	s10 =	sld [smem:$0x3FB8];
	_ =	sdelay $0x3  }
0x34: {  	[smem:$0x3FB8] =	sst s10  }
0x35: {  	s10 =	sld [smem:$0x3FB7];
	_ =	sdelay $0x3  }
0x36: {  	p1 =	seq.s32 s10, $0x1;
	s10 =	sld [smem:$0x3FB8];
	_ =	sdelay $0x3  }
0x37: {  	[smem:$0x3FB8] =	sst s10  }
0x38: {  	s10 =	sld [smem:$0x3FB9]  }
0x39: {  	_ = 	snop;
	(pc) =	sbr.ind lr, $3  }
0x3a: {  	_ = 	snop  }
0x3b: {  	_ = 	snop  }
0x3c: {  	p2 =	seq.s32 s10, $0x1;
	s10 =	sld [smem:$0x3FB8]  }
0x3d: {  	_ =	shalt  }
0x3e: {  	_ =	shalt  }
0x3f: {  	_ =	shalt  }
0x40: {  	_ =	shalt  }
0x41: {  	_ =	shalt  }
0x42: {  	_ =	shalt  }
0x43: {  	_ =	shalt  }
0x44: {  	_ =	shalt  }
0x45: {  	_ =	shalt  }
0x46: {  	_ =	shalt  }
0x47: {  	_ =	shalt  }
0x48: {  	_ =	shalt  }
0x49: {  	_ =	shalt  }
0x4a: {  	_ =	shalt  }
0x4b: {  	_ =	shalt  }
0x4c: {  	_ =	shalt  }
0x4d: {  	_ =	shalt  }
0x4e: {  	_ =	shalt  }
0x4f: {  	_ =	shalt  }
0x50: {  	_ =	shalt  }
0x51: {  	_ =	shalt  }
0x52: {  	_ =	shalt  }
0x53: {  	_ =	shalt  }
0x54: {  	_ =	shalt  }
0x55: {  	_ =	shalt  }
0x56: {  	_ =	shalt  }
0x57: {  	_ =	shalt  }
0x58: {  	_ =	shalt  }
0x59: {  	_ =	shalt  }
0x5a: {  	_ =	shalt  }
0x5b: {  	_ =	shalt  }
0x5c: {  	_ =	shalt  }
0x5d: {  	_ =	shalt  }
0x5e: {  	_ =	shalt  }
0x5f: {  	_ =	shalt  }
0x60: {  	_ =	shalt  }
0x61: {  	_ =	shalt  }
0x62: {  	_ =	shalt  }
0x63: {  	_ =	shalt  }
0x64: {  	_ =	shalt  }
0x65: {  	_ =	shalt  }
0x66: {  	_ =	shalt  }
0x67: {  	_ =	shalt  }
0x68: {  	_ =	shalt  }
0x69: {  	_ =	shalt  }
0x6a: {  	_ =	shalt  }
0x6b: {  	_ =	shalt  }
0x6c: {  	_ =	shalt  }
0x6d: {  	_ =	shalt  }
0x6e: {  	_ =	shalt  }
0x6f: {  	_ =	shalt  }
0x70: {  	_ =	shalt  }
0x71: {  	_ =	shalt  }
0x72: {  	_ =	shalt  }
0x73: {  	_ =	shalt  }
0x74: {  	_ =	shalt  }
0x75: {  	_ =	shalt  }
0x76: {  	_ =	shalt  }
0x77: {  	_ =	shalt  }
0x78: {  	_ =	shalt  }
0x79: {  	_ =	shalt  }
0x7a: {  	_ =	shalt  }
0x7b: {  	_ =	shalt  }
0x7c: {  	_ =	shalt  }
0x7d: {  	_ =	shalt  }
0x7e: {  	_ =	shalt  }
0x7f: {  	_ =	shalt  }
0x80: {  	_ =	shalt  }
0x81: {  	_ =	shalt  }
0x82: {  	_ =	shalt  }
0x83: {  	_ =	shalt  }
0x84: {  	_ =	shalt  }
0x85: {  	_ =	shalt  }
0x86: {  	_ =	shalt  }
0x87: {  	_ =	shalt  }
.Lfunc_end0:
.L_simem_size_0:
called_computation_lowered:
.L_overlay_start_0:
0x88: {  	s2 =	sld [smem:$0x3FD9]  }
0x89: {  	s3 =	sld [smem:$0x3FFE];
	_ =	sdelay $0x1  }
0x8a: {  	s1 =	srdreg.scid  }
0x8b: {  	s0 =	sand.u32 $0x1, s1  }
0x8c: {  	s17 =	sshll.u32 s0, $0xA;
	s2 =	sadd.s32 s3, s2  }
0x8d: {  	s2 =	sadd.s32 s2, s17  }
0x8e: {  	[smem:$0x3FC4] =	sst s2  }
0x8f: {  	_ = 	snop  }
0x90: {  	s2 =	sld [smem:$0x3FC7]  }
0x91: {  	s18 =	sld [smem:$0x3FD0];
	(tm) =	ssettm $0x1  }
0x92: {  	s4 =	sld [smem:$0x3FFB];
	_ =	sdelay $0x3  }
0x93: {  	_ =	strace s4  }
0x94: {  	s4 =	sld [smem:$0x3FFC];
	_ =	sdelay $0x3  }
0x95: {  	_ =	strace s4  }
0x96: {  	s4 =	sld [smem:$0x3FFD];
	_ =	sdelay $0x3  }
0x97: {  	_ =	strace s4  }
0x98: {  	_ =	strace $0x8FFFFFFF  }
0x99: {  	s19 =	sld [smem:$0x3FDB];
	_ =	sdelay $0x1  }
0x9a: {  	s5 =	simm.s32 $_scs_section_size  }
0x9b: {  	s6 =	simm.s32 $_size__tile_overlayer_lowered;
	s7 =	simm.s32 $_tile_overlayer_lowered  }
0x9c: {  	s22 =	simm.s32 $0x1BFF;
	s21 =	sshll.u32 s7, $0x1;
	s4 =	sadd.s32 s5, s19  }
0x9d: {  	s8 =	simm.s32 $0x0;
	s20 =	sshll.u32 s6, $0x1;
	s6 =	sadd.s32 s21, s4  }
0x9e: {  	[timem:s8], [sflag:s22] =	dma.local [hbm:s6], s20  }
0x9f: {  	_ =	swait.ge [sflag:s22], s20  }
0xa0: {  	s5 =	ssub.s32 $0x0, s20;
	[sflag:s22] =	ssyncset.done $0x0  }
0xa1: {  	[sflag:s22] =	ssyncadd.s32 s5;
	_ =	sdelay $0x1  }
0xa2: {  	s23 =	simm.s32 $0x1B8B  }
0xa3: {  	_ =	swait.ge [sflag:s23], $0x1  }
0xa4: {  	[sflag:s23] =	ssyncset.done $0x0  }
0xa5: {  	s25 =	simm.s32 $0x1B8E;
	s24 =	sld [smem:$0x3FFE];
	[sflag:s23] =	ssyncadd.s32 $0xFFFFFFFF  }
0xa6: {  	s26 =	simm.s32 $execute0_lowered;
	[smem:$0x3FD2] =	sst s25  }
0xa7: {  	s6 =	sshll.u32 s26, $0x1;
	_ =	strace $0x80000046;
	[dreg:$0x1] =	wrdreg $0xFFFFFFFF  }
0xa8: {  	s28 =	simm.s32 $_size_execute0_lowered;
	s4 =	sadd.s32 s4, s6;
	[dreg:$0x0] =	wrdreg $0x0  }
0xa9: {  	s6 =	sshll.u32 s28, $0x1;
	[dreg:$0x2] =	wrdreg s4  }
0xaa: {  	[dreg:$0x3] =	wrdreg s6  }
0xab: {  	[dreg:$0x4] =	wrdreg $0xC0  }
0xac: {  	_ =	task [dreg:s8], $0x5FFFF  }
0xad: {  	[dreg:$0x1] =	wrdreg $0xFFFFFFFF  }
0xae: {  	[dreg:$0x0] =	wrdreg $0x60  }
0xaf: {  	[dreg:$0x2] =	wrdreg s24  }
0xb0: {  	[dreg:$0x3] =	wrdreg s2  }
0xb1: {  	[dreg:$0x4] =	wrdreg s18  }
0xb2: {  	[dreg:$0x5] =	wrdreg $0x9  }
0xb3: {  	_ =	task.clear_ibuf [dreg:s8], $0x6FFFF;
	_ =	strace $0x90000046  }
0xb4: {  	s29 =	simm.s32 $0x9;
	_ =	strace $0x80000048  }
0xb5: {  	_ =	swait.ge [sflag:s29], $0x1  }
0xb6: {  	[sflag:s29] =	ssyncadd.s32 $0xFFFFFFFF  }
0xb7: {  	_ =	strace $0x90000048  }
0xb8: {  	_ =	sfence  }
0xb9: {  	s30 =	sld [smem:$0x0];
	_ =	sdelay $0x2  }
0xba: {  	s31 =	sshll.u32 s1, $0xD;
	s1 =	sshrl.u32 s1, $0x2  }
0xbb: {  	s3 =	sand.u32 $0x4000, s31;
	s1 =	sadd.s32 s1, s30  }
0xbc: {  	s0 =	sor.u32 s3, s0;
	s1 =	sshll.u32 s1, $0x11  }
0xbd: {  	s0 =	sor.u32 s1, s0  }
0xbe: {  	s0 =	sadd.s32 $0x8F2B, s0  }
0xbf: {  	[sflag:s0] =	ssyncadd.remote.s32 $0x1  }
0xc0: {  	_ =	sfence.sel $0xFFFF  }
0xc1: {  	[dreg:$0x0] =	wrdreg $0xFFFFFFFF;
	(pc) =	sbr.abs _section_cstart, $3  }
0xc2: {  	[dreg:$0x1] =	wrdreg $0xFFFFFFFF  }
0xc3: {  	_ =	task.clear_ibuf [dreg:s8], $0x2FFFF;
	_ =	strace $0x9FFFFFFF  }
0xc4: {  	(tm) =	ssettm $0x7FFFFFFF  }
0xc5: {  	_ =	shalt  }
tec
execute0_lowered:
.L_overlay_start_1:
0x0: {  	(tag) =	ssettag $0x1  }
0x1: {  	s5 =	rddreg [dreg:$0x0]  }
0x2: {  	s6 =	rddreg [dreg:$0x1]  }
0x3: {  	s9 =	rddreg [dreg:$0x2]  }
0x4: {  	s0 =	rddreg [dreg:$0x3];
	s2 =	simm.s32 $0x0  }
0x5: {  	s3 =	srdreg.scid;
	s1 =	stileid.u32;
	s14 =	simm.s32 $0xC580  }
0x6: {  	s15 =	simm.s32 $0xED80;
	s16 =	simm.s32 $0x80;
	s17 =	simm.s32 $0x400  }
0x7: {  	s18 =	simm.s32 $0x2;
	s19 =	simm.s32 $0x0;
	[smem:$0x7FF] =	sst s2  }
0x8: {  	s7 =	sand.u32 $0x1, s3;
	s8 =	sshll.u32 s1, $0x1;
	s3 =	sadd.s32 $0xE00, s5  }
0x9: {  	s4 =	sadd.s32 $0x800, s5;
	s5 =	sadd.s32 $0x200, s5;
	s13 =	sshrl.u32 s1, $0x2  }
0xa: {  	p0 =	slt.u32 s1, $0x2;
	s8 =	sor.u32 s7, s8;
	s28 =	smul.u32 $0x14000, s13  }
0xb: {  	_ =	strace $0x80000047;
	s7 =	ssub.s32 $0x2, s7;
	s10 =	smul.u32 $0x4E, s8  }
0xc: {  	s11 =	sshrl.u32 s7, $0x1;
	s12 =	smin.u32 s8, $0x4;
	s8 =	sshll.u32 s8, $0x7  }
0xd: {  	s13 =	simm.s32 $0x1;
	s11 =	ssub.s32 s7, s11;
	s8 =	sand.u32 $0x380, s8  }
0xe: {  	s7 =	simm.s32 $0x278;
	s10 =	sadd.s32 s12, s10;
	s8 =	sor.u32 s28, s8  }
0xf: {  	s7 =	simm.s32 @!p0 $0x270;
	p0 =	sgt.u32 s1, $0x1;
	s29 =	sshll.u32 s10, $0x5  }
0x10: {  	s30 =	sshrl.u32 s8, $0x3;
	s12 =	sadd.s32 $0x50000, s8;
	s10 =	smax.u32 s11, $0x1  }
0x11: {  	s11 =	simm.s32 $0x2780;
	s6 =	sadd.s32 s6, s29;
	s31 =	sshrl.u32 s12, $0x3  }
0x12: {  	v0 =	vimm.f32 $0.0e+00;
	v1 =	vimm.f32 $1.000000000e+00;
	s8 =	sadd.s32 s9, s30;
	s12 =	simm.s32 $0x4F00;
	s9 =	sadd.s32 s9, s31  }
.LBB2_1:
0x13: {  	[tilespmem:s2], [sflag:$0x1] =	stream.linear.gather [hbm4b:s3+s2], $0x2780, $0x38;
	[tilespmem:$0x13D00] =	vst v63  }
0x14: {  	_ = 	snop  }
0x15: {  	[tilespmem:s11], [sflag:$0x1] =	stream.linear.gather [hbm4b:s4+s2], $0x2780, $0x38;
	[tilespmem:$0x13D00] =	vst v63  }
0x16: {  	_ = 	snop  }
0x17: {  	[tilespmem:s12], [sflag:$0x1] =	stream.linear.gather [hbm4b:s5+s2], $0x2780, $0x38;
	[tilespmem:$0x13D00] =	vst v63  }
0x18: {  	s20 =	simm.s32 @p0 $0x0;
	s21 =	simm.s32 @p0 $0x7680  }
0x19: {  	[tilespmem:s21], [sflag:$0x2] =	stream.linear.gather @p0 [hbm4b:s6+s20], $0x4E00, $0x38;
	[tilespmem:$0x13D00] =	vst v63  }
0x1a: {  	s20 =	simm.s32 @p0 $0x2  }
0x1b: {  	_ =	swait.ge @p0 [sflag:s20], $0x4E00  }
0x1c: {  	[sflag:s20] =	ssyncset.done @p0 $0x0  }
0x1d: {  	s21 =	simm.s32 @!p0 $0x7680;
	[sflag:s20] =	ssyncadd.s32 @p0 $0xFFFFB200;
	s20 =	simm.s32 @!p0 $0x0  }
0x1e: {  	[tilespmem:s21], [sflag:$0x2] =	stream.linear.gather @!p0 [hbm4b:s6+s20], $0x4F00, $0x38;
	[tilespmem:$0x13D00] =	vst v63  }
0x1f: {  	s20 =	simm.s32 @!p0 $0x2  }
0x20: {  	_ =	swait.ge @!p0 [sflag:s20], $0x4F00  }
0x21: {  	[sflag:s20] =	ssyncset.done @!p0 $0x0  }
0x22: {  	[sflag:s20] =	ssyncadd.s32 @!p0 $0xFFFFB100;
	s20 =	simm.s32 $0xC5C0  }
0x23: {  	[tilespmem:s20+$0x30] =	vst v0  }
0x24: {  	[tilespmem:s20+$0xFFFFFFF0] =	vst v0  }
0x25: {  	[tilespmem:s20+$0xFFFFFFC0] =	vst v0  }
0x26: {  	[tilespmem:s20+$0xFFFFFFE0] =	vst v0  }
0x27: {  	[tilespmem:s20+$0x10] =	vst v0  }
0x28: {  	[tilespmem:s20+$0x20] =	vst v0  }
0x29: {  	[tilespmem:s20+$0x0] =	vst v0  }
0x2a: {  	s21 =	simm.s32 $0xEDC0;
	[tilespmem:s20+$0xFFFFFFD0] =	vst v0  }
0x2b: {  	[tilespmem:s21+$0xFFFFFFC0] =	vst v0  }
0x2c: {  	[tilespmem:s21+$0x30] =	vst v0  }
0x2d: {  	[tilespmem:s21+$0x20] =	vst v0  }
0x2e: {  	[tilespmem:s21+$0x10] =	vst v0  }
0x2f: {  	[tilespmem:s21+$0xFFFFFFE0] =	vst v0  }
0x30: {  	[tilespmem:s21+$0x0] =	vst v0  }
0x31: {  	s22 =	simm.s32 $0x0;
	[tilespmem:s21+$0xFFFFFFF0] =	vst v0  }
.LBB2_2:
0x32: {  	s22 =	sadd.s32 $0x8, s22;
	[tilespmem:s21+$0xFFFFFFD0] =	vst v0;
	s20 =	sadd.s32 $0x80, s20;
	s21 =	sadd.s32 $0x80, s21  }
0x33: {  	[tilespmem:s20+$0x30] =	vst v0;
	p1 =	slt.u32 s22, $0x278  }
0x34: {  	[tilespmem:s20+$0xFFFFFFF0] =	vst v0  }
0x35: {  	[tilespmem:s20+$0xFFFFFFC0] =	vst v0  }
0x36: {  	[tilespmem:s21+$0xFFFFFFC0] =	vst v0  }
0x37: {  	[tilespmem:s21+$0x30] =	vst v0  }
0x38: {  	[tilespmem:s20+$0xFFFFFFE0] =	vst v0  }
0x39: {  	[tilespmem:s20+$0x10] =	vst v0  }
0x3a: {  	[tilespmem:s20+$0x20] =	vst v0  }
0x3b: {  	[tilespmem:s21+$0x20] =	vst v0  }
0x3c: {  	[tilespmem:s21+$0x10] =	vst v0  }
.Ltmp0:
0x3d: {  	[tilespmem:s21+$0xFFFFFFE0] =	vst v0;
	(pc) =	sbr.rel @p1 .LBB2_2-.Ltmp0, $4  }
0x3e: {  	[tilespmem:s20+$0x0] =	vst v0  }
0x3f: {  	[tilespmem:s21+$0x0] =	vst v0  }
0x40: {  	[tilespmem:s21+$0xFFFFFFF0] =	vst v0  }
0x41: {  	[tilespmem:s20+$0xFFFFFFD0] =	vst v0  }
0x42: {  	[tilespmem:s21+$0xFFFFFFD0] =	vst v0  }
0x43: {  	_ =	swait.ge [sflag:s13], $0x2780  }
0x44: {  	[sflag:s13] =	ssyncset.done $0x0  }
0x45: {  	[sflag:s13] =	ssyncadd.s32 $0xFFFFD880  }
0x46: {  	_ =	swait.ge [sflag:s13], $0x2780  }
0x47: {  	[sflag:s13] =	ssyncset.done $0x0  }
0x48: {  	[sflag:s13] =	ssyncadd.s32 $0xFFFFD880  }
0x49: {  	_ =	swait.ge [sflag:s13], $0x2780  }
0x4a: {  	[sflag:s13] =	ssyncset.done $0x0  }
0x4b: {  	s20 =	simm.s32 $0x7700;
	[sflag:s13] =	ssyncadd.s32 $0xFFFFD880  }
0x4c: {  	v3 =	vld [tilespmem:s20+$0xFFFFFFF0]  }
0x4d: {  	v4 =	vld [tilespmem:s20+$0x70]  }
0x4e: {  	v5 =	vld [tilespmem:s20+$0x0]  }
0x4f: {  	v6 =	vld [tilespmem:s20+$0xFFFFFF90]  }
0x50: {  	v7 =	vld [tilespmem:s20+$0x10]  }
0x51: {  	v8 =	vld [tilespmem:s20+$0xFFFFFFA0]  }
0x52: {  	v9 =	vld [tilespmem:s20+$0x20]  }
0x53: {  	v10 =	vld [tilespmem:s20+$0xFFFFFFB0]  }
0x54: {  	v21 =	vld [tilespmem:s20+$0x30]  }
0x55: {  	v22 =	vld [tilespmem:s20+$0xFFFFFFC0]  }
0x56: {  	v23 =	vld [tilespmem:s20+$0x40]  }
0x57: {  	v24 =	vld [tilespmem:s20+$0xFFFFFFD0]  }
0x58: {  	v25 =	vld [tilespmem:s20+$0x50]  }
0x59: {  	v26 =	vld [tilespmem:s20+$0xFFFFFFE0]  }
0x5a: {  	v2 =	vld [tilespmem:s20+$0x60]  }
0x5b: {  	v18 =	vld [tilespmem:s20+$0xFFFFFF80]  }
0x5c: {  	v11 =	vld.idx.msk [tilespmem:v3+s2+$0x0], $0xffff  }
0x5d: {  	v12 =	vld.idx.msk [tilespmem:v4+s2+$0x0], $0xffff  }
0x5e: {  	v13 =	vld.idx.msk [tilespmem:v3+s11+$0x0], $0xffff  }
0x5f: {  	v14 =	vld.idx.msk [tilespmem:v4+s11+$0x0], $0xffff  }
0x60: {  	v15 =	vld.idx.msk [tilespmem:v3+s12+$0x0], $0xffff  }
0x61: {  	v16 =	vld.idx.msk [tilespmem:v4+s12+$0x0], $0xffff  }
0x62: {  	v17 =	vld.idx.msk [tilespmem:v5+s2+$0x0], $0xffff  }
0x63: {  	v19 =	vld.idx.msk [tilespmem:v5+s11+$0x0], $0xffff  }
0x64: {  	v20 =	vld.idx.msk [tilespmem:v7+s11+$0x0], $0xffff  }
0x65: {  	v27 =	vld.idx.msk [tilespmem:v18+s2+$0x0], $0xffff  }
0x66: {  	v28 =	vld.idx.msk [tilespmem:v9+s2+$0x0], $0xffff  }
0x67: {  	v29 =	vld.idx.msk [tilespmem:v8+s11+$0x0], $0xffff  }
0x68: {  	v31 =	vld.idx.msk [tilespmem:v9+s11+$0x0], $0xffff  }
0x69: {  	v32 =	vld.idx.msk [tilespmem:v10+s2+$0x0], $0xffff  }
0x6a: {  	v34 =	vld.idx.msk [tilespmem:v21+s2+$0x0], $0xffff  }
0x6b: {  	v35 =	vld.idx.msk [tilespmem:v10+s11+$0x0], $0xffff  }
0x6c: {  	v36 =	vld.idx.msk [tilespmem:v21+s11+$0x0], $0xffff  }
0x6d: {  	v37 =	vld.idx.msk [tilespmem:v22+s2+$0x0], $0xffff  }
0x6e: {  	v38 =	vld.idx.msk [tilespmem:v23+s2+$0x0], $0xffff  }
0x6f: {  	v39 =	vld.idx.msk [tilespmem:v22+s11+$0x0], $0xffff  }
0x70: {  	v54 =	vld.idx.msk [tilespmem:v23+s11+$0x0], $0xffff;
	v11 =	vsub.f32 v11, v12;
	v12 =	vsub.f32 v13, v14  }
0x71: {  	v56 =	vld.idx.msk [tilespmem:v25+s11+$0x0], $0xffff  }
0x72: {  	v57 =	vld.idx.msk [tilespmem:v2+s2+$0x0], $0xffff;
	v15 =	vsub.f32 v15, v16;
	v11 =	vmul.f32 v11, v11;
	v12 =	vmul.f32 v12, v12  }
0x73: {  	v13 =	vld.idx.msk [tilespmem:v6+s2+$0x0], $0xffff  }
0x74: {  	v14 =	vld.idx.msk [tilespmem:v7+s2+$0x0], $0xffff;
	v11 =	vadd.f32 v12, v11;
	v12 =	vmul.f32 v15, v15  }
0x75: {  	vm0 =	veq.s32 v3, v4;
	v16 =	vld.idx.msk [tilespmem:v6+s11+$0x0], $0xffff  }
0x76: {  	vm1 =	veq.s32 v18, v5;
	vm2 =	veq.s32 v6, v7;
	v4 =	vld.idx.msk [tilespmem:v26+s11+$0x0], $0xffff;
	v11 =	vadd.f32 v12, v11  }
0x77: {  	vm6 =	veq.s32 v8, v9;
	vm3 =	veq.s32 v10, v21;
	vm5 =	veq.s32 v22, v23;
	v15 =	vld.idx.msk [tilespmem:v8+s2+$0x0], $0xffff  }
0x78: {  	vm4 =	veq.s32 v24, v25;
	vm7 =	veq.s32 v26, v2;
	v12 =	vld.idx.msk [tilespmem:v18+s11+$0x0], $0xffff;
	v11 =	vmax.f32 v11, $9.999999960e-13  }
0x79: {  	vm2 =	vmmov vm2;
	v61 =	vld.idx.msk [tilespmem:v18+s12+$0x0], $0xffff;
	v30 =	vshra.s32 v11, $0x1;
	v11 =	vmul.f32 $5.000000000e-01, v11  }
0x7a: {  	v5 =	vld.idx.msk [tilespmem:v5+s12+$0x0], $0xffff;
	v13 =	vsub.f32 v13, v14;
	v14 =	vsub.f32 v16, v20;
	v30 =	vsub.s32 $0x5F3759DF, v30  }
0x7b: {  	vm3 =	vmmov vm3;
	v17 =	vsub.f32 v27, v17;
	v6 =	vld.idx.msk [tilespmem:v6+s12+$0x0], $0xffff;
	v33 =	vmul.f32 v30, v11  }
0x7c: {  	v55 =	vsub.f32 v29, v31;
	v7 =	vld.idx.msk [tilespmem:v7+s12+$0x0], $0xffff;
	v13 =	vmul.f32 v13, v13;
	v14 =	vmul.f32 v14, v14  }
0x7d: {  	v16 =	vld.idx.msk [tilespmem:v24+s2+$0x0], $0xffff;
	v15 =	vsub.f32 v15, v28;
	v12 =	vsub.f32 v12, v19;
	v33 =	vmul.f32 v30, v33  }
0x7e: {  	v17 =	vmul.f32 v17, v17;
	v27 =	vmul.f32 v55, v55;
	v20 =	vld.idx.msk [tilespmem:v25+s2+$0x0], $0xffff;
	v14 =	vadd.f32 v14, v13  }
0x7f: {  	v13 =	vld.idx.msk [tilespmem:v26+s2+$0x0], $0xffff;
	v15 =	vmul.f32 v15, v15;
	v12 =	vmul.f32 v12, v12;
	v33 =	vsub.f32 $1.500000000e+00, v33  }
0x80: {  	vm4 =	vmmov vm4;
	v3 =	vsub.f32 v32, v34;
	v60 =	vsub.f32 v39, v54;
	v19 =	vld.idx.msk [tilespmem:v24+s11+$0x0], $0xffff  }
0x81: {  	v12 =	vadd.f32 v12, v17;
	v17 =	vadd.f32 v27, v15;
	v15 =	vld.idx.msk [tilespmem:v2+s11+$0x0], $0xffff;
	v30 =	vmul.f32 v30, v33  }
0x82: {  	v58 =	vsub.f32 v35, v36;
	v5 =	vsub.f32 v61, v5;
	v3 =	vmul.f32 v3, v3  }
0x83: {  	v9 =	vld.idx.msk [tilespmem:v9+s12+$0x0], $0xffff;
	v59 =	vsub.f32 v37, v38;
	v62 =	vmul.f32 v60, v60;
	v11 =	vmul.f32 v30, v11  }
0x84: {  	v5 =	vmul.f32 v5, v5;
	v8 =	vld.idx.msk [tilespmem:v8+s12+$0x0], $0xffff;
	v7 =	vsub.f32 v6, v7;
	v18 =	vmul.f32 v58, v58  }
0x85: {  	v16 =	vsub.f32 v16, v20;
	v13 =	vsub.f32 v13, v57;
	v11 =	vmul.f32 v11, v30  }
0x86: {  	v63 =	vld.idx.msk [tilespmem:v10+s12+$0x0], $0xffff;
	v20 =	vmul.f32 v59, v59;
	v19 =	vsub.f32 v19, v56;
	v4 =	vsub.f32 v4, v15  }
0x87: {  	v6 =	vld.idx.msk [tilespmem:v23+s12+$0x0], $0xffff;
	v16 =	vmul.f32 v16, v16;
	v10 =	vmul.f32 v13, v13;
	v11 =	vsub.f32 $1.500000000e+00, v11  }
0x88: {  	p1 =	sgt.u32 s7, $0x8;
	v18 =	vadd.f32 v18, v3;
	v28 =	vmul.f32 v19, v19;
	v15 =	vld.idx.msk [tilespmem:v21+s12+$0x0], $0xffff;
	v13 =	vmul.f32 v4, v4  }
.Ltmp1:
0x89: {  	v3 =	vld.idx.msk [tilespmem:v22+s12+$0x0], $0xffff;
	v8 =	vsub.f32 v8, v9;
	v19 =	vadd.f32 v62, v20;
	v11 =	vmul.f32 v11, v30;
	(pc) =	sbr.rel @!p1 .LBB2_4-.Ltmp1, $4  }
0x8a: {  	v20 =	vadd.f32 v28, v16;
	v16 =	vmul.f32 v7, v7;
	v7 =	vld.idx.msk [tilespmem:v25+s12+$0x0], $0xffff;
	v10 =	vadd.f32 v13, v10  }
0x8b: {  	s24 =	simm.s32 $0x8;
	v4 =	vld.idx.msk [tilespmem:v24+s12+$0x0], $0xffff;
	v13 =	vadd.f32 v5, v12;
	v12 =	vmul.f32 v8, v8;
	v11 =	vsel vm0, $0x0, v11  }
0x8c: {  	s21 =	simm.s32 $0xFFFFFFF8;
	s22 =	simm.s32 $0x76C0;
	s20 =	simm.s32 $0x115C0;
	v5 =	vld.idx.msk [tilespmem:v26+s12+$0x0], $0xffff;
	vm0 =	vmmov vm6;
	vm6 =	vmmov vm1;
	vm1 =	vmmov vm5  }
0x8d: {  	s25 =	simm.s32 $0x7800;
	s26 =	simm.s32 $0x115C0;
	s23 =	simm.s32 $0x115C0;
	v8 =	vld.idx.msk [tilespmem:v2+s12+$0x0], $0xffff;
	vm5 =	vmmov vm7;
	[tilespmem:s20+$0x30] =	vst v11;
	v11 =	vadd.f32 v16, v14;
	v14 =	vsub.f32 v63, v15  }
.LBB2_5:
0x8e: {  	v15 =	vld [tilespmem:s25+$0xFFFFFFF0];
	v9 =	vmax.f32 v13, $9.999999960e-13  }
0x8f: {  	v6 =	vsub.f32 v3, v6;
	v16 =	vld [tilespmem:s25+$0x70];
	v12 =	vadd.f32 v12, v17;
	v13 =	vmul.f32 v14, v14  }
0x90: {  	v14 =	vshra.s32 v9, $0x1;
	v17 =	vmul.f32 $5.000000000e-01, v9;
	v9 =	vmax.f32 v11, $9.999999960e-13;
	v2 =	vld [tilespmem:s25+$0x0]  }
0x91: {  	s24 =	sadd.s32 $0x8, s24;
	v4 =	vsub.f32 v4, v7;
	v3 =	vld [tilespmem:s25+$0xFFFFFF90];
	v11 =	vadd.f32 v13, v18;
	v13 =	vmul.f32 v6, v6  }
0x92: {  	p1 =	slt.u32 s24, s7;
	v21 =	vshra.s32 v9, $0x1;
	v18 =	vmul.f32 $5.000000000e-01, v9;
	v9 =	vmax.f32 v12, $9.999999960e-13;
	v6 =	vld [tilespmem:s25+$0x10]  }
0x93: {  	v8 =	vsub.f32 v5, v8;
	v7 =	vld [tilespmem:s25+$0xFFFFFFA0];
	v12 =	vadd.f32 v13, v19;
	v13 =	vmul.f32 v4, v4  }
0x94: {  	v22 =	vmul.f32 $5.000000000e-01, v9;
	v19 =	vshra.s32 v9, $0x1;
	v9 =	vmax.f32 v11, $9.999999960e-13;
	v4 =	vld [tilespmem:s25+$0x20]  }
0x95: {  	v8 =	vmul.f32 v8, v8;
	v5 =	vld [tilespmem:s25+$0xFFFFFFB0];
	v11 =	vmax.f32 v12, $9.999999960e-13;
	v12 =	vadd.f32 v13, v20  }
0x96: {  	v23 =	vmul.f32 $5.000000000e-01, v9;
	v13 =	vshra.s32 v9, $0x1;
	v20 =	vld.idx.msk [tilespmem:v15+s2+$0x0], $0xffff;
	v9 =	vshra.s32 v11, $0x1  }
0x97: {  	v25 =	vmul.f32 $5.000000000e-01, v11;
	v8 =	vadd.f32 v8, v10;
	v24 =	vld.idx.msk [tilespmem:v16+s2+$0x0], $0xffff;
	v11 =	vmax.f32 v12, $9.999999960e-13  }
0x98: {  	v26 =	vsub.s32 $0x5F3759DF, v14;
	v12 =	vld.idx.msk [tilespmem:v15+s11+$0x0], $0xffff;
	v10 =	vshra.s32 v11, $0x1;
	v27 =	vmul.f32 $5.000000000e-01, v11  }
0x99: {  	v21 =	vsub.s32 $0x5F3759DF, v21;
	v29 =	vsub.s32 $0x5F3759DF, v19;
	v8 =	vmax.f32 v8, $9.999999960e-13;
	v28 =	vld.idx.msk [tilespmem:v16+s11+$0x0], $0xffff  }
0x9a: {  	v30 =	vsub.s32 $0x5F3759DF, v13;
	v11 =	vshra.s32 v8, $0x1;
	v31 =	vmul.f32 $5.000000000e-01, v8;
	v19 =	vld.idx.msk [tilespmem:v15+s12+$0x0], $0xffff  }
0x9b: {  	v33 =	vsub.s32 $0x5F3759DF, v9;
	v34 =	vsub.s32 $0x5F3759DF, v10;
	v35 =	vsub.s32 $0x5F3759DF, v11;
	v32 =	vld.idx.msk [tilespmem:v16+s12+$0x0], $0xffff  }
0x9c: {  	v36 =	vmul.f32 v21, v18;
	vm7 =	veq.s32 v3, v6;
	v9 =	vmul.f32 v26, v17;
	v13 =	vld [tilespmem:s25+$0x30]  }
0x9d: {  	v37 =	vmul.f32 v29, v22;
	v38 =	vmul.f32 v30, v23;
	vm8 =	veq.s32 v7, v4;
	v14 =	vld [tilespmem:s25+$0xFFFFFFC0]  }
0x9e: {  	v39 =	vmul.f32 v33, v25;
	v40 =	vmul.f32 v34, v27;
	v10 =	vld [tilespmem:s25+$0x40]  }
0x9f: {  	v20 =	vsub.f32 v20, v24;
	v24 =	vsub.f32 v12, v28;
	v28 =	vmul.f32 v35, v31;
	v11 =	vld [tilespmem:s25+$0xFFFFFFD0]  }
0xa0: {  	v36 =	vmul.f32 v21, v36;
	v41 =	vmul.f32 v26, v9;
	v8 =	vld [tilespmem:s25+$0x50]  }
0xa1: {  	v20 =	vmul.f32 v20, v20;
	v32 =	vsub.f32 v19, v32;
	v24 =	vmul.f32 v24, v24;
	v12 =	vld [tilespmem:s25+$0xFFFFFFE0]  }
0xa2: {  	v37 =	vmul.f32 v29, v37;
	v38 =	vmul.f32 v30, v38;
	v41 =	vsub.f32 $1.500000000e+00, v41;
	v9 =	vld [tilespmem:s25+$0x60]  }
0xa3: {  	v20 =	vadd.f32 v24, v20;
	v24 =	vmul.f32 v32, v32;
	v32 =	vmul.f32 v33, v39;
	v19 =	vld [tilespmem:s25+$0xFFFFFF80]  }
0xa4: {  	v36 =	vsub.f32 $1.500000000e+00, v36;
	v40 =	vmul.f32 v34, v40;
	v28 =	vmul.f32 v35, v28;
	v39 =	vld.idx.msk [tilespmem:v2+s2+$0x0], $0xffff  }
0xa5: {  	v20 =	vadd.f32 v24, v20;
	v24 =	vmul.f32 v26, v41;
	v26 =	vsub.f32 $1.500000000e+00, v37;
	v42 =	vld.idx.msk [tilespmem:v2+s11+$0x0], $0xffff  }
0xa6: {  	v36 =	vmul.f32 v21, v36;
	v21 =	vsub.f32 $1.500000000e+00, v38;
	v32 =	vsub.f32 $1.500000000e+00, v32;
	v37 =	vld.idx.msk [tilespmem:v3+s2+$0x0], $0xffff  }
0xa7: {  	v40 =	vsub.f32 $1.500000000e+00, v40;
	v28 =	vsub.f32 $1.500000000e+00, v28;
	v20 =	vmax.f32 v20, $9.999999960e-13;
	v38 =	vld.idx.msk [tilespmem:v6+s2+$0x0], $0xffff  }
0xa8: {  	v26 =	vmul.f32 v29, v26;
	v43 =	vshra.s32 v20, $0x1;
	v20 =	vmul.f32 $5.000000000e-01, v20;
	v41 =	vld.idx.msk [tilespmem:v3+s11+$0x0], $0xffff  }
0xa9: {  	v30 =	vmul.f32 v30, v21;
	v32 =	vmul.f32 v33, v32;
	v43 =	vsub.s32 $0x5F3759DF, v43;
	v29 =	vld.idx.msk [tilespmem:v6+s11+$0x0], $0xffff  }
0xaa: {  	v34 =	vmul.f32 v34, v40;
	vm9 =	veq.s32 v19, v2;
	v21 =	vmul.f32 v43, v20;
	v33 =	vld.idx.msk [tilespmem:v7+s2+$0x0], $0xffff  }
0xab: {  	vm10 =	veq.s32 v5, v13;
	v28 =	vmul.f32 v35, v28;
	v17 =	vmul.f32 v24, v17;
	v40 =	vld.idx.msk [tilespmem:v19+s2+$0x0], $0xffff  }
0xac: {  	v18 =	vmul.f32 v36, v18;
	vm11 =	veq.s32 v14, v10;
	v21 =	vmul.f32 v43, v21;
	v35 =	vld.idx.msk [tilespmem:v19+s11+$0x0], $0xffff  }
0xad: {  	v23 =	vmul.f32 v30, v23;
	v22 =	vmul.f32 v26, v22;
	v37 =	vsub.f32 v37, v38;
	v38 =	vld.idx.msk [tilespmem:v4+s2+$0x0], $0xffff  }
0xae: {  	v27 =	vmul.f32 v34, v27;
	v25 =	vmul.f32 v32, v25;
	v21 =	vsub.f32 $1.500000000e+00, v21;
	v44 =	vld.idx.msk [tilespmem:v7+s11+$0x0], $0xffff  }
0xaf: {  	v31 =	vmul.f32 v28, v31;
	v29 =	vsub.f32 v41, v29;
	v37 =	vmul.f32 v37, v37;
	v41 =	vld.idx.msk [tilespmem:v4+s11+$0x0], $0xffff  }
0xb0: {  	vm12 =	veq.s32 v11, v8;
	v17 =	vmul.f32 v17, v24;
	v43 =	vmul.f32 v43, v21;
	v45 =	vld.idx.msk [tilespmem:v5+s2+$0x0], $0xffff  }
0xb1: {  	v18 =	vmul.f32 v18, v36;
	v21 =	vsub.f32 v40, v39;
	v29 =	vmul.f32 v29, v29;
	v39 =	vld.idx.msk [tilespmem:v13+s2+$0x0], $0xffff  }
0xb2: {  	v22 =	vmul.f32 v22, v26;
	v35 =	vsub.f32 v35, v42;
	v20 =	vmul.f32 v43, v20;
	v40 =	vld.idx.msk [tilespmem:v5+s11+$0x0], $0xffff  }
0xb3: {  	v42 =	vmul.f32 v21, v21;
	v21 =	vadd.f32 v29, v37;
	v29 =	vsub.f32 v33, v38;
	v33 =	vld.idx.msk [tilespmem:v13+s11+$0x0], $0xffff  }
0xb4: {  	v38 =	vsub.f32 $1.500000000e+00, v17;
	v35 =	vmul.f32 v35, v35;
	v20 =	vmul.f32 v20, v43;
	v37 =	vld.idx.msk [tilespmem:v14+s2+$0x0], $0xffff  }
0xb5: {  	v23 =	vmul.f32 v23, v30;
	v17 =	vsub.f32 v44, v41;
	v29 =	vmul.f32 v29, v29;
	v41 =	vld.idx.msk [tilespmem:v10+s2+$0x0], $0xffff  }
0xb6: {  	v25 =	vmul.f32 v25, v32;
	v35 =	vadd.f32 v35, v42;
	v20 =	vsub.f32 $1.500000000e+00, v20;
	v42 =	vld.idx.msk [tilespmem:v14+s11+$0x0], $0xffff  }
0xb7: {  	v27 =	vmul.f32 v27, v34;
	v17 =	vmul.f32 v17, v17;
	v39 =	vsub.f32 v45, v39;
	v44 =	vld.idx.msk [tilespmem:v10+s11+$0x0], $0xffff  }
0xb8: {  	v31 =	vmul.f32 v31, v28;
	v20 =	vmul.f32 v20, v43;
	v43 =	vsub.f32 $1.500000000e+00, v18;
	v45 =	vld.idx.msk [tilespmem:v11+s2+$0x0], $0xffff  }
0xb9: {  	vm13 =	veq.s32 v15, v16;
	v18 =	vsub.f32 v40, v33;
	v33 =	vmul.f32 v39, v39;
	v39 =	vld.idx.msk [tilespmem:v8+s2+$0x0], $0xffff  }
0xba: {  	s26 =	sadd.s32 $0x80, s26;
	v17 =	vadd.f32 v17, v29;
	v16 =	vsel vm13, $0x0, v20;
	v20 =	vsub.f32 $1.500000000e+00, v22;
	v15 =	vld.idx.msk [tilespmem:v11+s11+$0x0], $0xffff  }
0xbb: {  	v18 =	vmul.f32 v18, v18;
	v22 =	vsub.f32 v37, v41;
	v29 =	vld.idx.msk [tilespmem:v8+s11+$0x0], $0xffff;
	[tilespmem:s26+$0x30] =	vst v16;
	v16 =	vsub.f32 $1.500000000e+00, v23  }
0xbc: {  	v27 =	vsub.f32 $1.500000000e+00, v27;
	v25 =	vsub.f32 $1.500000000e+00, v25;
	v24 =	vmul.f32 v38, v24;
	v23 =	vld.idx.msk [tilespmem:v12+s2+$0x0], $0xffff  }
0xbd: {  	v18 =	vadd.f32 v18, v33;
	v33 =	vsub.f32 v42, v44;
	v22 =	vmul.f32 v22, v22;
	v37 =	vld.idx.msk [tilespmem:v9+s2+$0x0], $0xffff  }
0xbe: {  	v36 =	vmul.f32 v43, v36;
	v20 =	vmul.f32 v20, v26;
	v26 =	vsub.f32 $1.500000000e+00, v31;
	v38 =	vld.idx.msk [tilespmem:v12+s11+$0x0], $0xffff  }
0xbf: {  	v16 =	vmul.f32 v16, v30;
	v31 =	vmul.f32 v33, v33;
	v33 =	vsub.f32 v45, v39;
	v39 =	vld.idx.msk [tilespmem:v9+s11+$0x0], $0xffff  }
0xc0: {  	v27 =	vmul.f32 v27, v34;
	v25 =	vmul.f32 v25, v32;
	vm13 =	veq.s32 v12, v9;
	v30 =	vld.idx.msk [tilespmem:v19+s12+$0x0], $0xffff  }
0xc1: {  	v19 =	vadd.f32 v31, v22;
	v15 =	vsub.f32 v15, v29;
	v22 =	vmul.f32 v33, v33;
	v2 =	vld.idx.msk [tilespmem:v2+s12+$0x0], $0xffff  }
0xc2: {  	v26 =	vmul.f32 v26, v28;
	v29 =	vld.idx.msk [tilespmem:v3+s12+$0x0], $0xffff;
	v3 =	vsel vm6, $0x0, v24;
	v24 =	vsel vm2, $0x0, v36  }
0xc3: {  	v15 =	vmul.f32 v15, v15;
	v23 =	vsub.f32 v23, v37;
	v6 =	vld.idx.msk [tilespmem:v6+s12+$0x0], $0xffff;
	[tilespmem:s23+$0xFFFFFFC0] =	vst v3;
	v3 =	vsel vm0, $0x0, v20  }
0xc4: {  	v16 =	vsel vm3, $0x0, v16;
	v7 =	vld.idx.msk [tilespmem:v7+s12+$0x0], $0xffff;
	[tilespmem:s23+$0xFFFFFFD0] =	vst v24;
	v24 =	vsel vm1, $0x0, v25;
	v25 =	vsel vm4, $0x0, v27  }
0xc5: {  	v20 =	vadd.f32 v15, v22;
	v15 =	vmul.f32 v23, v23;
	v27 =	vld.idx.msk [tilespmem:v4+s12+$0x0], $0xffff;
	v4 =	vsub.f32 v38, v39  }
0xc6: {  	vm2 =	vmmov vm7;
	vm0 =	vmmov vm8;
	v23 =	vsel vm5, $0x0, v26;
	v22 =	vld.idx.msk [tilespmem:v5+s12+$0x0], $0xffff;
	[tilespmem:s23+$0xFFFFFFE0] =	vst v3  }
0xc7: {  	vm6 =	vmmov vm9;
	v2 =	vsub.f32 v30, v2;
	v26 =	vld.idx.msk [tilespmem:v13+s12+$0x0], $0xffff;
	v4 =	vmul.f32 v4, v4;
	[tilespmem:s23+$0xFFFFFFF0] =	vst v16  }
0xc8: {  	vm3 =	vmmov vm10;
	vm1 =	vmmov vm11;
	vm4 =	vmmov vm12;
	v3 =	vld.idx.msk [tilespmem:v14+s12+$0x0], $0xffff;
	[tilespmem:s23+$0x0] =	vst v24  }
.Ltmp2:
0xc9: {  	v2 =	vmul.f32 v2, v2;
	v5 =	vsub.f32 v29, v6;
	v6 =	vld.idx.msk [tilespmem:v10+s12+$0x0], $0xffff;
	v10 =	vadd.f32 v4, v15;
	(pc) =	sbr.rel @p1 .LBB2_5-.Ltmp2, $4  }
0xca: {  	vm5 =	vmmov vm13;
	v4 =	vld.idx.msk [tilespmem:v11+s12+$0x0], $0xffff;
	[tilespmem:s23+$0x10] =	vst v25  }
0xcb: {  	v13 =	vadd.f32 v2, v35;
	v2 =	vmul.f32 v5, v5;
	v14 =	vsub.f32 v7, v27;
	v7 =	vld.idx.msk [tilespmem:v8+s12+$0x0], $0xffff  }
0xcc: {  	v5 =	vld.idx.msk [tilespmem:v12+s12+$0x0], $0xffff;
	[tilespmem:s23+$0x20] =	vst v23;
	s23 =	smov.u32 s26  }
0xcd: {  	s25 =	sadd.s32 $0x100, s25;
	v11 =	vadd.f32 v2, v21;
	v12 =	vmul.f32 v14, v14;
	v14 =	vsub.f32 v22, v26;
	v8 =	vld.idx.msk [tilespmem:v9+s12+$0x0], $0xffff  }
.LBB2_6:
0xce: {  	v2 =	vmax.f32 v13, $9.999999960e-13  }
0xcf: {  	v3 =	vsub.f32 v3, v6;
	v9 =	vadd.f32 v12, v17;
	v45 =	vmul.f32 v14, v14  }
0xd0: {  	v46 =	vshra.s32 v2, $0x1;
	v2 =	vmul.f32 $5.000000000e-01, v2;
	v11 =	vmax.f32 v11, $9.999999960e-13  }
0xd1: {  	v4 =	vsub.f32 v4, v7;
	v3 =	vmul.f32 v3, v3;
	v47 =	vshra.s32 v11, $0x1  }
0xd2: {  	v11 =	vmul.f32 $5.000000000e-01, v11;
	v6 =	vsub.s32 $0x5F3759DF, v46;
	v12 =	vadd.f32 v45, v18  }
0xd3: {  	v9 =	vmax.f32 v9, $9.999999960e-13;
	v7 =	vsub.s32 $0x5F3759DF, v47;
	v16 =	vmul.f32 v6, v2  }
0xd4: {  	v4 =	vmul.f32 v4, v4;
	v5 =	vsub.f32 v5, v8;
	v3 =	vadd.f32 v3, v19  }
0xd5: {  	v48 =	vshra.s32 v9, $0x1;
	v9 =	vmul.f32 $5.000000000e-01, v9;
	v52 =	vmul.f32 v7, v11  }
0xd6: {  	v12 =	vmax.f32 v12, $9.999999960e-13;
	v8 =	vsub.s32 $0x5F3759DF, v48;
	v16 =	vmul.f32 v6, v16  }
0xd7: {  	v4 =	vadd.f32 v4, v20;
	v5 =	vmul.f32 v5, v5;
	v3 =	vmax.f32 v3, $9.999999960e-13  }
0xd8: {  	v49 =	vshra.s32 v12, $0x1;
	v12 =	vmul.f32 $5.000000000e-01, v12;
	v53 =	vmul.f32 v8, v9  }
0xd9: {  	v17 =	vmul.f32 v7, v52;
	v50 =	vshra.s32 v3, $0x1;
	v3 =	vmul.f32 $5.000000000e-01, v3  }
0xda: {  	v13 =	vsub.s32 $0x5F3759DF, v49;
	v16 =	vsub.f32 $1.500000000e+00, v16;
	v4 =	vmax.f32 v4, $9.999999960e-13  }
0xdb: {  	v5 =	vadd.f32 v5, v10;
	v14 =	vsub.s32 $0x5F3759DF, v50;
	v54 =	vmul.f32 v13, v12  }
0xdc: {  	v18 =	vmul.f32 v8, v53;
	v51 =	vshra.s32 v4, $0x1;
	v4 =	vmul.f32 $5.000000000e-01, v4  }
0xdd: {  	v17 =	vsub.f32 $1.500000000e+00, v17;
	v55 =	vmul.f32 v14, v3;
	v6 =	vmul.f32 v6, v16  }
0xde: {  	v5 =	vmax.f32 v5, $9.999999960e-13;
	v10 =	vsub.s32 $0x5F3759DF, v51;
	v19 =	vmul.f32 v13, v54  }
0xdf: {  	v18 =	vsub.f32 $1.500000000e+00, v18;
	v7 =	vmul.f32 v7, v17;
	v15 =	vmul.f32 $5.000000000e-01, v5  }
0xe0: {  	v5 =	vshra.s32 v5, $0x1;
	v21 =	vmul.f32 v10, v4;
	v20 =	vmul.f32 v14, v55  }
0xe1: {  	v2 =	vmul.f32 v6, v2;
	v5 =	vsub.s32 $0x5F3759DF, v5;
	v8 =	vmul.f32 v8, v18  }
0xe2: {  	v56 =	vsub.f32 $1.500000000e+00, v19;
	v11 =	vmul.f32 v7, v11;
	v22 =	vmul.f32 v5, v15  }
0xe3: {  	v21 =	vmul.f32 v10, v21;
	v2 =	vmul.f32 v2, v6  }
0xe4: {  	v57 =	vsub.f32 $1.500000000e+00, v20;
	v13 =	vmul.f32 v13, v56;
	v9 =	vmul.f32 v8, v9  }
0xe5: {  	v11 =	vmul.f32 v11, v7;
	v22 =	vmul.f32 v5, v22;
	v58 =	vsub.f32 $1.500000000e+00, v21  }
0xe6: {  	v14 =	vmul.f32 v14, v57;
	v2 =	vsub.f32 $1.500000000e+00, v2;
	v12 =	vmul.f32 v13, v12  }
0xe7: {  	v9 =	vmul.f32 v9, v8;
	v59 =	vsub.f32 $1.500000000e+00, v22;
	v10 =	vmul.f32 v10, v58  }
0xe8: {  	v11 =	vsub.f32 $1.500000000e+00, v11;
	v3 =	vmul.f32 v14, v3;
	v2 =	vmul.f32 v2, v6  }
0xe9: {  	v12 =	vmul.f32 v12, v13;
	v5 =	vmul.f32 v5, v59  }
0xea: {  	v7 =	vmul.f32 v11, v7;
	v4 =	vmul.f32 v10, v4  }
0xeb: {  	v9 =	vsub.f32 $1.500000000e+00, v9;
	v3 =	vmul.f32 v3, v14;
	v15 =	vmul.f32 v5, v15  }
0xec: {  	v2 =	vsel vm6, $0x0, v2;
	v12 =	vsub.f32 $1.500000000e+00, v12;
	v4 =	vmul.f32 v4, v10  }
0xed: {  	v8 =	vmul.f32 v9, v8;
	v3 =	vsub.f32 $1.500000000e+00, v3;
	v60 =	vmul.f32 v15, v5  }
0xee: {  	v7 =	vsel vm2, $0x0, v7;
	[tilespmem:s23+$0xFFFFFFC0] =	vst v2;
	v61 =	vmul.f32 v12, v13;
	v4 =	vsub.f32 $1.500000000e+00, v4  }
0xef: {  	[tilespmem:s23+$0xFFFFFFD0] =	vst v7;
	v62 =	vsel vm0, $0x0, v8;
	v3 =	vmul.f32 v3, v14;
	v2 =	vsub.f32 $1.500000000e+00, v60  }
0xf0: {  	[tilespmem:s23+$0xFFFFFFE0] =	vst v62;
	v63 =	vsel vm3, $0x0, v61;
	v4 =	vmul.f32 v4, v10  }
0xf1: {  	v3 =	vsel vm1, $0x0, v3;
	[tilespmem:s23+$0xFFFFFFF0] =	vst v63;
	v2 =	vmul.f32 v2, v5  }
0xf2: {  	[tilespmem:s23+$0x0] =	vst v3;
	v4 =	vsel vm4, $0x0, v4  }
0xf3: {  	[tilespmem:s23+$0x10] =	vst v4;
	v2 =	vsel vm5, $0x0, v2  }
0xf4: {  	[tilespmem:s23+$0x20] =	vst v2  }
.LBB2_7:
0xf5: {  	v2 =	vld [tilespmem:s20+$0xFFFFFFC0];
	_ =	sdelay $0x2  }
0xf6: {  	v3 =	vld [tilespmem:s22+$0xFFFFFFC0];
	_ =	sdelay $0x1  }
0xf7: {  	vm0 =	vgt.f32 v2, $0.0e+00;
	_ =	sdelay $0x5  }
0xf8: {  	[tilespmem:v3+s14+$0x0] =	vst.idx.add.f32.msk vm0, v2  }
0xf9: {  	[tilespmem:v3+s15+$0x0] =	vst.idx.add.f32.msk vm0, v1  }
0xfa: {  	v2 =	vld [tilespmem:s20+$0xFFFFFFD0];
	_ =	sdelay $0x2  }
0xfb: {  	v3 =	vld [tilespmem:s22+$0xFFFFFFD0];
	_ =	sdelay $0x1  }
0xfc: {  	vm9 =	vgt.f32 v2, $0.0e+00;
	_ =	sdelay $0x5  }
0xfd: {  	[tilespmem:v3+s14+$0x0] =	vst.idx.add.f32.msk vm9, v2  }
0xfe: {  	[tilespmem:v3+s15+$0x0] =	vst.idx.add.f32.msk vm9, v1  }
0xff: {  	v2 =	vld [tilespmem:s20+$0xFFFFFFE0];
	_ =	sdelay $0x2  }
0x100: {  	v3 =	vld [tilespmem:s22+$0xFFFFFFE0];
	_ =	sdelay $0x1  }
0x101: {  	vm10 =	vgt.f32 v2, $0.0e+00;
	_ =	sdelay $0x5  }
0x102: {  	[tilespmem:v3+s14+$0x0] =	vst.idx.add.f32.msk vm10, v2  }
0x103: {  	[tilespmem:v3+s15+$0x0] =	vst.idx.add.f32.msk vm10, v1  }
0x104: {  	v2 =	vld [tilespmem:s20+$0xFFFFFFF0];
	_ =	sdelay $0x2  }
0x105: {  	v3 =	vld [tilespmem:s22+$0xFFFFFFF0];
	_ =	sdelay $0x1  }
0x106: {  	vm11 =	vgt.f32 v2, $0.0e+00;
	_ =	sdelay $0x5  }
0x107: {  	[tilespmem:v3+s14+$0x0] =	vst.idx.add.f32.msk vm11, v2  }
0x108: {  	[tilespmem:v3+s15+$0x0] =	vst.idx.add.f32.msk vm11, v1  }
0x109: {  	v2 =	vld [tilespmem:s20+$0x0];
	_ =	sdelay $0x2  }
0x10a: {  	v3 =	vld [tilespmem:s22+$0x0];
	_ =	sdelay $0x1  }
0x10b: {  	vm12 =	vgt.f32 v2, $0.0e+00;
	_ =	sdelay $0x5  }
0x10c: {  	[tilespmem:v3+s14+$0x0] =	vst.idx.add.f32.msk vm12, v2  }
0x10d: {  	[tilespmem:v3+s15+$0x0] =	vst.idx.add.f32.msk vm12, v1  }
0x10e: {  	v2 =	vld [tilespmem:s20+$0x10];
	_ =	sdelay $0x2  }
0x10f: {  	v3 =	vld [tilespmem:s22+$0x10];
	_ =	sdelay $0x1  }
0x110: {  	vm13 =	vgt.f32 v2, $0.0e+00;
	_ =	sdelay $0x5  }
0x111: {  	[tilespmem:v3+s14+$0x0] =	vst.idx.add.f32.msk vm13, v2  }
0x112: {  	[tilespmem:v3+s15+$0x0] =	vst.idx.add.f32.msk vm13, v1  }
0x113: {  	v2 =	vld [tilespmem:s20+$0x20];
	_ =	sdelay $0x2  }
0x114: {  	v3 =	vld [tilespmem:s22+$0x20];
	_ =	sdelay $0x1  }
0x115: {  	vm14 =	vgt.f32 v2, $0.0e+00;
	_ =	sdelay $0x5  }
0x116: {  	[tilespmem:v3+s14+$0x0] =	vst.idx.add.f32.msk vm14, v2  }
0x117: {  	[tilespmem:v3+s15+$0x0] =	vst.idx.add.f32.msk vm14, v1  }
0x118: {  	v2 =	vld [tilespmem:s20+$0x30];
	_ =	sdelay $0x2  }
0x119: {  	v3 =	vld [tilespmem:s22+$0x30];
	_ =	sdelay $0x1  }
0x11a: {  	vm15 =	vgt.f32 v2, $0.0e+00  }
0x11b: {  	s21 =	sadd.s32 $0x8, s21  }
0x11c: {  	p1 =	slt.u32 s21, $0x268  }
.Ltmp3:
0x11d: {  	_ = 	snop;
	(pc) =	sbr.rel @p1 .LBB2_7-.Ltmp3, $3  }
0x11e: {  	_ =	sdelay $0x1  }
0x11f: {  	[tilespmem:v3+s14+$0x0] =	vst.idx.add.f32.msk vm15, v2  }
0x120: {  	s22 =	sadd.s32 $0x100, s22;
	s20 =	sadd.s32 $0x80, s20;
	[tilespmem:v3+s15+$0x0] =	vst.idx.add.f32.msk vm15, v1  }
0x121: {  	v2 =	vld @!p0 [tilespmem:$0x13C80];
	_ =	sdelay $0x2  }
0x122: {  	v3 =	vld @!p0 [tilespmem:$0xC480];
	_ =	sdelay $0x1  }
0x123: {  	vm0 =	vgt.f32 @!p0 v2, $0.0e+00;
	_ =	sdelay $0x4  }
0x124: {  	s20 =	simm.s32 @!p0 $0xC580  }
0x125: {  	s21 =	simm.s32 @!p0 $0xED80;
	[tilespmem:v3+s20+$0x0] =	vst.idx.add.f32.msk @!p0 vm0, v2;
	v2 =	vimm.f32 @!p0 $1.000000000e+00  }
0x126: {  	[tilespmem:v3+s21+$0x0] =	vst.idx.add.f32.msk @!p0 vm0, v2  }
0x127: {  	v3 =	vld @!p0 [tilespmem:$0x13C90];
	_ =	sdelay $0x2  }
0x128: {  	v4 =	vld @!p0 [tilespmem:$0xC490];
	_ =	sdelay $0x1  }
0x129: {  	vm0 =	vgt.f32 @!p0 v3, $0.0e+00;
	_ =	sdelay $0x5  }
0x12a: {  	[tilespmem:v4+s20+$0x0] =	vst.idx.add.f32.msk @!p0 vm0, v3  }
0x12b: {  	[tilespmem:v4+s21+$0x0] =	vst.idx.add.f32.msk @!p0 vm0, v2  }
0x12c: {  	v3 =	vld @!p0 [tilespmem:$0x13CA0];
	_ =	sdelay $0x2  }
0x12d: {  	v4 =	vld @!p0 [tilespmem:$0xC4A0];
	_ =	sdelay $0x1  }
0x12e: {  	vm0 =	vgt.f32 @!p0 v3, $0.0e+00;
	_ =	sdelay $0x5  }
0x12f: {  	[tilespmem:v4+s20+$0x0] =	vst.idx.add.f32.msk @!p0 vm0, v3  }
0x130: {  	[tilespmem:v4+s21+$0x0] =	vst.idx.add.f32.msk @!p0 vm0, v2  }
0x131: {  	v3 =	vld @!p0 [tilespmem:$0x13CB0];
	_ =	sdelay $0x2  }
0x132: {  	v4 =	vld @!p0 [tilespmem:$0xC4B0];
	_ =	sdelay $0x1  }
0x133: {  	vm0 =	vgt.f32 @!p0 v3, $0.0e+00;
	_ =	sdelay $0x5  }
0x134: {  	[tilespmem:v4+s20+$0x0] =	vst.idx.add.f32.msk @!p0 vm0, v3  }
0x135: {  	[tilespmem:v4+s21+$0x0] =	vst.idx.add.f32.msk @!p0 vm0, v2  }
0x136: {  	v3 =	vld @!p0 [tilespmem:$0x13CC0];
	_ =	sdelay $0x2  }
0x137: {  	v4 =	vld @!p0 [tilespmem:$0xC4C0];
	_ =	sdelay $0x1  }
0x138: {  	vm0 =	vgt.f32 @!p0 v3, $0.0e+00;
	_ =	sdelay $0x5  }
0x139: {  	[tilespmem:v4+s20+$0x0] =	vst.idx.add.f32.msk @!p0 vm0, v3  }
0x13a: {  	[tilespmem:v4+s21+$0x0] =	vst.idx.add.f32.msk @!p0 vm0, v2  }
0x13b: {  	v3 =	vld @!p0 [tilespmem:$0x13CD0];
	_ =	sdelay $0x2  }
0x13c: {  	v4 =	vld @!p0 [tilespmem:$0xC4D0];
	_ =	sdelay $0x1  }
0x13d: {  	vm0 =	vgt.f32 @!p0 v3, $0.0e+00;
	_ =	sdelay $0x5  }
0x13e: {  	[tilespmem:v4+s20+$0x0] =	vst.idx.add.f32.msk @!p0 vm0, v3  }
0x13f: {  	[tilespmem:v4+s21+$0x0] =	vst.idx.add.f32.msk @!p0 vm0, v2  }
0x140: {  	v3 =	vld @!p0 [tilespmem:$0x13CE0];
	_ =	sdelay $0x2  }
0x141: {  	v4 =	vld @!p0 [tilespmem:$0xC4E0];
	_ =	sdelay $0x1  }
0x142: {  	vm0 =	vgt.f32 @!p0 v3, $0.0e+00;
	_ =	sdelay $0x5  }
0x143: {  	[tilespmem:v4+s20+$0x0] =	vst.idx.add.f32.msk @!p0 vm0, v3  }
0x144: {  	[tilespmem:v4+s21+$0x0] =	vst.idx.add.f32.msk @!p0 vm0, v2  }
0x145: {  	v3 =	vld @!p0 [tilespmem:$0x13CF0];
	_ =	sdelay $0x2  }
0x146: {  	v4 =	vld @!p0 [tilespmem:$0xC4F0];
	_ =	sdelay $0x1  }
0x147: {  	vm0 =	vgt.f32 @!p0 v3, $0.0e+00;
	_ =	sdelay $0x5  }
0x148: {  	[tilespmem:v4+s20+$0x0] =	vst.idx.add.f32.msk @!p0 vm0, v3  }
0x149: {  	[tilespmem:v4+s21+$0x0] =	vst.idx.add.f32.msk @!p0 vm0, v2  }
0x14a: {  	[hbm4b:s8+s16] =	stream.strided.scatter [tilespmem:s14], [sflag:$0x2], $0x2800, s17, s16, $0x38;
	[tilespmem:$0x13D00] =	vst v63  }
0x14b: {  	_ =	swait.ge [sflag:s18], $0x2800  }
0x14c: {  	s19 =	sadd.s32 $0x1, s19;
	[sflag:s18] =	ssyncset.done $0x0  }
0x14d: {  	p1 =	sne.s32 s19, s10;
	[sflag:s18] =	ssyncadd.s32 $0xFFFFD800  }
0x14e: {  	[hbm4b:s9+s16] =	stream.strided.scatter [tilespmem:s15], [sflag:$0x2], $0x2800, s17, s16, $0x38;
	[tilespmem:$0x13D00] =	vst v63  }
.Ltmp4:
0x14f: {  	_ = 	snop;
	(pc) =	sbr.rel @p1 .LBB2_1-.Ltmp4, $4  }
.Ltmp5:
0x150: {  	_ = 	snop;
	(pc) =	sbr.rel @!p1 .LBB2_9-.Ltmp5, $4  }
0x151: {  	_ =	swait.ge [sflag:s18], $0x2800  }
0x152: {  	[sflag:s18] =	ssyncset.done $0x0  }
0x153: {  	[sflag:s18] =	ssyncadd.s32 $0xFFFFD800  }
0x154: {  	_ = 	snop  }
.LBB2_4:
.Ltmp6:
0x155: {  	(pc) =	sbr.rel .LBB2_6-.Ltmp6, $2  }
0x156: {  	_ =	sdelay $0x2  }
0x157: {  	s23 =	simm.s32 $0x115C0  }
.LBB2_9:
0x158: {  	_ =	sfence.sel $0x180000  }
0x159: {  	[bflag:$0x0] =	sbarrier.arrive $0xFFFF  }
0x15a: {  	p0 =	sne.s32 s1, $0x0;
	_ =	strace $0x90000047  }
0x15b: {  	s0 =	sadd.s32 @!p0 $0x100000, s0;
	[bflag:$0x2] =	sbarrier.arrive $0xFFFF  }
0x15c: {  	[sflag:s0] =	ssyncadd.tile.s32 @!p0 $0x1;
	_ =	shalt  }
.Lfunc_end2:
_tile_overlayer_lowered:
.L_overlay_start_2:
0x15d: {  	(tag) =	ssettag $0x2  }
0x15e: {  	s0 =	rddreg [dreg:$0x0];
	s2 =	stileid.u32  }
0x15f: {  	s1 =	rddreg [dreg:$0x1];
	p0 =	sne.s32 s2, $0x0  }
0x160: {  	s3 =	rddreg [dreg:$0x2];
	[bflag:$0x3] =	sbarrier.arrive $0xFFFF;
	s2 =	simm.s32 @!p0 $0x1C02  }
0x161: {  	[timem:s3], [sflag:s2] =	dma.local @!p0 [hbm:s0], s1  }
0x162: {  	s0 =	simm.s32 @!p0 $0x2  }
0x163: {  	_ =	swait.ge @!p0 [sflag:s0], s1  }
0x164: {  	s1 =	ssub.s32 @!p0 $0x0, s1;
	[sflag:s0] =	ssyncset.done @!p0 $0x0  }
0x165: {  	[sflag:s0] =	ssyncadd.s32 @!p0 s1  }
0x166: {  	[bflag:$0x3] =	sbarrier.arrive $0xFFFF  }
0x167: {  	_ =	shalt  }

</sc_bundles>
